<compile_context>
chip_gen: v7x
topology: tpu7x:2x2x1
jax: 0.10.2.dev20260603
libtpu: 0.0.44.dev20260713+nightly
codegen_flags: <defaults>
</compile_context>

<pallas_src>
import functools

import jax
import jax.numpy as jnp
from jax import lax
from jax.experimental import pallas as pl
from jax.experimental.pallas import tpu as pltpu
from jax.experimental.pallas import tpu_sc as plsc

NUM_CORES = 2
NUM_SUBCORES = 16
NUM_WORKERS = NUM_CORES * NUM_SUBCORES

IDX_ROW = 128
CHUNK = 128
SUB = IDX_ROW // CHUNK
NBUF = 5


@functools.partial(jax.jit, static_argnames=("n_rows", "dim", "n_idx_rows"))
def _sc_gather(idx, weight, *, n_rows, dim, n_idx_rows):
    mesh = plsc.VectorSubcoreMesh(core_axis_name="c", subcore_axis_name="s")
    n_slots = n_idx_rows * SUB
    n_groups = n_slots // NBUF

    @functools.partial(
        pl.kernel,
        out_type=jax.ShapeDtypeStruct((n_rows, dim), jnp.float32),
        mesh=mesh,
        scratch_types=[
            pltpu.VMEM((n_idx_rows, IDX_ROW), jnp.int32),
            pltpu.VMEM((NBUF, CHUNK, dim), jnp.float32),
            [pltpu.SemaphoreType.DMA] * NBUF,
            [pltpu.SemaphoreType.DMA] * NBUF,
        ],
        compiler_params=pltpu.CompilerParams(use_tc_tiling_on_sc=True),
    )
    def k(idx_hbm, table_hbm, out_hbm, idx_v, rows_v, gsems, osems):
        wid = lax.axis_index("s") * NUM_CORES + lax.axis_index("c")
        base = wid * (n_idx_rows * IDX_ROW)

        pltpu.sync_copy(idx_hbm.at[wid], idx_v)

        def idx_list(s):
            if SUB == 1:
                return idx_v.at[s]
            return idx_v.at[s // SUB].at[pl.ds((s % SUB) * CHUNK, CHUNK)]

        def gather(s, b):
            pltpu.async_copy(table_hbm.at[idx_list(s)], rows_v.at[b], gsems[b])

        def wait_gather(b):
            pltpu.make_async_copy(
                table_hbm.at[idx_list(0)], rows_v.at[b], gsems[b]
            ).wait()

        def put(s, b):
            pltpu.async_copy(
                rows_v.at[b], out_hbm.at[pl.ds(base + s * CHUNK, CHUNK)], osems[b]
            )

        def wait_put(b):
            pltpu.make_async_copy(
                rows_v.at[b], out_hbm.at[pl.ds(base, CHUNK)], osems[b]
            ).wait()

        for b in range(NBUF):
            gather(b, b)

        def group_body(g, carry):
            for b in range(NBUF):
                wait_gather(b)
                put(g * NBUF + b, b)
            for b in range(NBUF):
                wait_put(b)
                gather((g + 1) * NBUF + b, b)
            return carry

        lax.fori_loop(0, n_groups - 1, group_body, 0, unroll=False)

        for b in range(NBUF):
            wait_gather(b)
            put((n_groups - 1) * NBUF + b, b)
        for b in range(NBUF):
            wait_put(b)

    return k(idx, weight)


def kernel(input, weight):
    b, h = input.shape
    v, d = weight.shape
    n_rows = b * h
    per_worker = n_rows // NUM_WORKERS
    n_idx_rows = per_worker // IDX_ROW
    idx = input.T.reshape(NUM_WORKERS, n_idx_rows, IDX_ROW).astype(jnp.int32)
    out = _sc_gather(idx, weight, n_rows=n_rows, dim=d, n_idx_rows=n_idx_rows)
    return out.reshape(h, b, d).transpose(1, 0, 2)

# --- scband reference (transcript-rebuilt; emitter-appended) ---
"""Pipeline reference for scband-parallel-embedding-22101901705787 (READ-ONLY COPY).

The authoritative reference and input builder live on the scoring server;
editing this copy changes nothing except your own understanding.
"""

import jax, jax.numpy as jnp
import numpy as np

NUM_EMBEDDINGS = 100000
EMBEDDING_DIM = 128
BATCH = 16384
HIST_LEN = 50


def setup_inputs(seed: int = 0) -> dict:
    key = jax.random.key(seed)
    k1, k2 = jax.random.split(key)
    indices = jax.random.randint(k1, (BATCH, HIST_LEN), 0, NUM_EMBEDDINGS, dtype=jnp.int64 if jax.config.jax_enable_x64 else jnp.int32)
    weight = jax.random.normal(k2, (NUM_EMBEDDINGS, EMBEDDING_DIM), dtype=jnp.float32)
    return {"input": indices, "weight": weight}


def reference(input, weight):
    # ParallelEmbedding with world_size == 1 (single-shard semantics):
    # masked_input == input, no masking, reduce_to_tensor_group is identity.
    world_size = 1
    vocab_start_idx = 0
    vocab_end_idx = NUM_EMBEDDINGS
    if world_size > 1:
        input_mask = (input < vocab_start_idx) | (input >= vocab_end_idx)
        masked_input = jnp.where(input_mask, 0, input - vocab_start_idx)
    else:
        masked_input = input
    parallel_output = jnp.take(weight, masked_input, axis=0)
    if world_size > 1:
        parallel_output = jnp.where(input_mask[..., None], 0.0, parallel_output)
    # reduce_to_tensor_group -> identity for world_size == 1
    output = parallel_output
    return output

if __name__ == "__main__":
    import jax
    _d = setup_inputs()
    print(jax.jit(kernel)(*tuple(_d.values())))

</pallas_src>

<mosaic_0001>
#map = affine_map<(d0, d1) -> (0, 0, 0)>
#map1 = affine_map<(d0, d1) -> (0, 0)>
module attributes {stable_mosaic.version = 14 : i64} {
  func.func @k(%arg0: i32, %arg1: i32, %arg2: memref<32x200x128xi32, #tpu.memory_space<hbm>>, %arg3: memref<100000x128xf32, #tpu.memory_space<hbm>>, %arg4: memref<819200x128xf32, #tpu.memory_space<hbm>>, %arg5: memref<200x128xi32, #tpu.memory_space<vmem>>, %arg6: memref<5x128x128xf32, #tpu.memory_space<vmem>>, %arg7: memref<!tpu.dma_semaphore, #tpu.memory_space<semaphore_mem>>, %arg8: memref<!tpu.dma_semaphore, #tpu.memory_space<semaphore_mem>>, %arg9: memref<!tpu.dma_semaphore, #tpu.memory_space<semaphore_mem>>, %arg10: memref<!tpu.dma_semaphore, #tpu.memory_space<semaphore_mem>>, %arg11: memref<!tpu.dma_semaphore, #tpu.memory_space<semaphore_mem>>, %arg12: memref<!tpu.dma_semaphore, #tpu.memory_space<semaphore_mem>>, %arg13: memref<!tpu.dma_semaphore, #tpu.memory_space<semaphore_mem>>, %arg14: memref<!tpu.dma_semaphore, #tpu.memory_space<semaphore_mem>>, %arg15: memref<!tpu.dma_semaphore, #tpu.memory_space<semaphore_mem>>, %arg16: memref<!tpu.dma_semaphore, #tpu.memory_space<semaphore_mem>>) attributes {dimension_semantics = [#tpu.dimension_semantics<core_parallel>, #tpu.dimension_semantics<subcore_parallel>], iteration_bounds = array<i64: 2, 16>, scalar_prefetch = 0 : i64, scratch_operands = 12 : i64, tpu.core_type = #tpu.core_type<sc_vector_subcore>, window_params = [{transform_indices = #map}, {transform_indices = #map1}, {transform_indices = #map1}]} {
    %mul3A = arith.constant 2 : i32
    %mul3A_0 = arith.muli %arg1, %mul3A : i32
    %add3A = arith.addi %mul3A_0, %arg0 : i32
    %mul3A_1 = arith.constant 25600 : i32
    %mul3A_2 = arith.muli %add3A, %mul3A_1 : i32
    "tpu.region"() ({
      %run_scoped3A = tpu.sem_alloc : memref<!tpu.dma_semaphore, #tpu.memory_space<semaphore_mem>>
      %dma_start3A_266 = arith.constant 0 : i32
      %dma_start3A_267 = arith.constant 0 : i32
      %dma_start3A_268 = tpu.memref_slice %arg2[%add3A, %dma_start3A_266, %dma_start3A_267] : memref<32x200x128xi32, #tpu.memory_space<hbm>> -> memref<1x200x128xi32, #tpu.memory_space<hbm>>
      %dma_start3A_269 = tpu.memref_squeeze %dma_start3A_268 : memref<1x200x128xi32, #tpu.memory_space<hbm>> -> memref<200x128xi32, #tpu.memory_space<hbm>>
      %dma_start3A_270 = arith.constant 0 : i32
      %dma_start3A_271 = arith.constant 0 : i32
      %dma_start3A_272 = tpu.memref_slice %arg2[%add3A, %dma_start3A_270, %dma_start3A_271] : memref<32x200x128xi32, #tpu.memory_space<hbm>> -> memref<1x200x128xi32, #tpu.memory_space<hbm>>
      %dma_start3A_273 = tpu.memref_squeeze %dma_start3A_272 : memref<1x200x128xi32, #tpu.memory_space<hbm>> -> memref<200x128xi32, #tpu.memory_space<hbm>>
      tpu.enqueue_dma source(%dma_start3A_273 : memref<200x128xi32, #tpu.memory_space<hbm>>) target(%arg5 : memref<200x128xi32, #tpu.memory_space<vmem>>) target_semaphore(%run_scoped3A : memref<!tpu.dma_semaphore, #tpu.memory_space<semaphore_mem>>)
      %dma_wait3A_274 = arith.constant 0 : i32
      %dma_wait3A_275 = arith.constant 0 : i32
      %dma_wait3A_276 = tpu.memref_slice %arg2[%add3A, %dma_wait3A_274, %dma_wait3A_275] : memref<32x200x128xi32, #tpu.memory_space<hbm>> -> memref<1x200x128xi32, #tpu.memory_space<hbm>>
      %dma_wait3A_277 = tpu.memref_squeeze %dma_wait3A_276 : memref<1x200x128xi32, #tpu.memory_space<hbm>> -> memref<200x128xi32, #tpu.memory_space<hbm>>
      %dma_wait3A_278 = arith.constant 0 : i32
      %dma_wait3A_279 = arith.constant 0 : i32
      %dma_wait3A_280 = tpu.memref_slice %arg2[%add3A, %dma_wait3A_278, %dma_wait3A_279] : memref<32x200x128xi32, #tpu.memory_space<hbm>> -> memref<1x200x128xi32, #tpu.memory_space<hbm>>
      %dma_wait3A_281 = tpu.memref_squeeze %dma_wait3A_280 : memref<1x200x128xi32, #tpu.memory_space<hbm>> -> memref<200x128xi32, #tpu.memory_space<hbm>>
      tpu.wait_dma2 semaphore(%run_scoped3A : memref<!tpu.dma_semaphore, #tpu.memory_space<semaphore_mem>>) src(%dma_wait3A_281 : memref<200x128xi32, #tpu.memory_space<hbm>>) dst(%arg5 : memref<200x128xi32, #tpu.memory_space<vmem>>)
      tpu.yield
    }) : () -> ()
    %dma_start3A = arith.constant 0 : i32
    %dma_start3A_3 = arith.constant 0 : i32
    %dma_start3A_4 = arith.constant 0 : i32
    %dma_start3A_5 = arith.constant 0 : i32
    %dma_start3A_6 = tpu.memref_slice %arg6[%dma_start3A_3, %dma_start3A_4, %dma_start3A_5] : memref<5x128x128xf32, #tpu.memory_space<vmem>> -> memref<1x128x128xf32, #tpu.memory_space<vmem>>
    %dma_start3A_7 = tpu.memref_squeeze %dma_start3A_6 : memref<1x128x128xf32, #tpu.memory_space<vmem>> -> memref<128x128xf32, #tpu.memory_space<vmem>>
    %dma_start3A_8 = arith.constant 0 : i32
    %dma_start3A_9 = tpu.memref_slice %arg5[%dma_start3A, %dma_start3A_8] : memref<200x128xi32, #tpu.memory_space<vmem>> -> memref<1x128xi32, #tpu.memory_space<vmem>>
    %dma_start3A_10 = tpu.memref_squeeze %dma_start3A_9 : memref<1x128xi32, #tpu.memory_space<vmem>> -> memref<128xi32, #tpu.memory_space<vmem>>
    %dma_start3A_11 = arith.constant 0 : i32
    %dma_start3A_12 = arith.constant 0 : i32
    %dma_start3A_13 = tpu.memref_slice %arg3[%dma_start3A_11, %dma_start3A_12] : memref<100000x128xf32, #tpu.memory_space<hbm>> -> memref<100000x128xf32, #tpu.memory_space<hbm>>
    tpu.enqueue_indirect_dma source(%dma_start3A_13 : memref<100000x128xf32, #tpu.memory_space<hbm>>) target(%dma_start3A_7 : memref<128x128xf32, #tpu.memory_space<vmem>>) offsets(%dma_start3A_10 : memref<128xi32, #tpu.memory_space<vmem>>) semaphore(%arg7 : memref<!tpu.dma_semaphore, #tpu.memory_space<semaphore_mem>>)
    %dma_start3A_14 = arith.constant 1 : i32
    %dma_start3A_15 = arith.constant 1 : i32
    %dma_start3A_16 = arith.constant 0 : i32
    %dma_start3A_17 = arith.constant 0 : i32
    %dma_start3A_18 = tpu.memref_slice %arg6[%dma_start3A_15, %dma_start3A_16, %dma_start3A_17] : memref<5x128x128xf32, #tpu.memory_space<vmem>> -> memref<1x128x128xf32, #tpu.memory_space<vmem>>
    %dma_start3A_19 = tpu.memref_squeeze %dma_start3A_18 : memref<1x128x128xf32, #tpu.memory_space<vmem>> -> memref<128x128xf32, #tpu.memory_space<vmem>>
    %dma_start3A_20 = arith.constant 0 : i32
    %dma_start3A_21 = tpu.memref_slice %arg5[%dma_start3A_14, %dma_start3A_20] : memref<200x128xi32, #tpu.memory_space<vmem>> -> memref<1x128xi32, #tpu.memory_space<vmem>>
    %dma_start3A_22 = tpu.memref_squeeze %dma_start3A_21 : memref<1x128xi32, #tpu.memory_space<vmem>> -> memref<128xi32, #tpu.memory_space<vmem>>
    %dma_start3A_23 = arith.constant 0 : i32
    %dma_start3A_24 = arith.constant 0 : i32
    %dma_start3A_25 = tpu.memref_slice %arg3[%dma_start3A_23, %dma_start3A_24] : memref<100000x128xf32, #tpu.memory_space<hbm>> -> memref<100000x128xf32, #tpu.memory_space<hbm>>
    tpu.enqueue_indirect_dma source(%dma_start3A_25 : memref<100000x128xf32, #tpu.memory_space<hbm>>) target(%dma_start3A_19 : memref<128x128xf32, #tpu.memory_space<vmem>>) offsets(%dma_start3A_22 : memref<128xi32, #tpu.memory_space<vmem>>) semaphore(%arg8 : memref<!tpu.dma_semaphore, #tpu.memory_space<semaphore_mem>>)
    %dma_start3A_26 = arith.constant 2 : i32
    %dma_start3A_27 = arith.constant 2 : i32
    %dma_start3A_28 = arith.constant 0 : i32
    %dma_start3A_29 = arith.constant 0 : i32
    %dma_start3A_30 = tpu.memref_slice %arg6[%dma_start3A_27, %dma_start3A_28, %dma_start3A_29] : memref<5x128x128xf32, #tpu.memory_space<vmem>> -> memref<1x128x128xf32, #tpu.memory_space<vmem>>
    %dma_start3A_31 = tpu.memref_squeeze %dma_start3A_30 : memref<1x128x128xf32, #tpu.memory_space<vmem>> -> memref<128x128xf32, #tpu.memory_space<vmem>>
    %dma_start3A_32 = arith.constant 0 : i32
    %dma_start3A_33 = tpu.memref_slice %arg5[%dma_start3A_26, %dma_start3A_32] : memref<200x128xi32, #tpu.memory_space<vmem>> -> memref<1x128xi32, #tpu.memory_space<vmem>>
    %dma_start3A_34 = tpu.memref_squeeze %dma_start3A_33 : memref<1x128xi32, #tpu.memory_space<vmem>> -> memref<128xi32, #tpu.memory_space<vmem>>
    %dma_start3A_35 = arith.constant 0 : i32
    %dma_start3A_36 = arith.constant 0 : i32
    %dma_start3A_37 = tpu.memref_slice %arg3[%dma_start3A_35, %dma_start3A_36] : memref<100000x128xf32, #tpu.memory_space<hbm>> -> memref<100000x128xf32, #tpu.memory_space<hbm>>
    tpu.enqueue_indirect_dma source(%dma_start3A_37 : memref<100000x128xf32, #tpu.memory_space<hbm>>) target(%dma_start3A_31 : memref<128x128xf32, #tpu.memory_space<vmem>>) offsets(%dma_start3A_34 : memref<128xi32, #tpu.memory_space<vmem>>) semaphore(%arg9 : memref<!tpu.dma_semaphore, #tpu.memory_space<semaphore_mem>>)
    %dma_start3A_38 = arith.constant 3 : i32
    %dma_start3A_39 = arith.constant 3 : i32
    %dma_start3A_40 = arith.constant 0 : i32
    %dma_start3A_41 = arith.constant 0 : i32
    %dma_start3A_42 = tpu.memref_slice %arg6[%dma_start3A_39, %dma_start3A_40, %dma_start3A_41] : memref<5x128x128xf32, #tpu.memory_space<vmem>> -> memref<1x128x128xf32, #tpu.memory_space<vmem>>
    %dma_start3A_43 = tpu.memref_squeeze %dma_start3A_42 : memref<1x128x128xf32, #tpu.memory_space<vmem>> -> memref<128x128xf32, #tpu.memory_space<vmem>>
    %dma_start3A_44 = arith.constant 0 : i32
    %dma_start3A_45 = tpu.memref_slice %arg5[%dma_start3A_38, %dma_start3A_44] : memref<200x128xi32, #tpu.memory_space<vmem>> -> memref<1x128xi32, #tpu.memory_space<vmem>>
    %dma_start3A_46 = tpu.memref_squeeze %dma_start3A_45 : memref<1x128xi32, #tpu.memory_space<vmem>> -> memref<128xi32, #tpu.memory_space<vmem>>
    %dma_start3A_47 = arith.constant 0 : i32
    %dma_start3A_48 = arith.constant 0 : i32
    %dma_start3A_49 = tpu.memref_slice %arg3[%dma_start3A_47, %dma_start3A_48] : memref<100000x128xf32, #tpu.memory_space<hbm>> -> memref<100000x128xf32, #tpu.memory_space<hbm>>
    tpu.enqueue_indirect_dma source(%dma_start3A_49 : memref<100000x128xf32, #tpu.memory_space<hbm>>) target(%dma_start3A_43 : memref<128x128xf32, #tpu.memory_space<vmem>>) offsets(%dma_start3A_46 : memref<128xi32, #tpu.memory_space<vmem>>) semaphore(%arg10 : memref<!tpu.dma_semaphore, #tpu.memory_space<semaphore_mem>>)
    %dma_start3A_50 = arith.constant 4 : i32
    %dma_start3A_51 = arith.constant 4 : i32
    %dma_start3A_52 = arith.constant 0 : i32
    %dma_start3A_53 = arith.constant 0 : i32
    %dma_start3A_54 = tpu.memref_slice %arg6[%dma_start3A_51, %dma_start3A_52, %dma_start3A_53] : memref<5x128x128xf32, #tpu.memory_space<vmem>> -> memref<1x128x128xf32, #tpu.memory_space<vmem>>
    %dma_start3A_55 = tpu.memref_squeeze %dma_start3A_54 : memref<1x128x128xf32, #tpu.memory_space<vmem>> -> memref<128x128xf32, #tpu.memory_space<vmem>>
    %dma_start3A_56 = arith.constant 0 : i32
    %dma_start3A_57 = tpu.memref_slice %arg5[%dma_start3A_50, %dma_start3A_56] : memref<200x128xi32, #tpu.memory_space<vmem>> -> memref<1x128xi32, #tpu.memory_space<vmem>>
    %dma_start3A_58 = tpu.memref_squeeze %dma_start3A_57 : memref<1x128xi32, #tpu.memory_space<vmem>> -> memref<128xi32, #tpu.memory_space<vmem>>
    %dma_start3A_59 = arith.constant 0 : i32
    %dma_start3A_60 = arith.constant 0 : i32
    %dma_start3A_61 = tpu.memref_slice %arg3[%dma_start3A_59, %dma_start3A_60] : memref<100000x128xf32, #tpu.memory_space<hbm>> -> memref<100000x128xf32, #tpu.memory_space<hbm>>
    tpu.enqueue_indirect_dma source(%dma_start3A_61 : memref<100000x128xf32, #tpu.memory_space<hbm>>) target(%dma_start3A_55 : memref<128x128xf32, #tpu.memory_space<vmem>>) offsets(%dma_start3A_58 : memref<128xi32, #tpu.memory_space<vmem>>) semaphore(%arg11 : memref<!tpu.dma_semaphore, #tpu.memory_space<semaphore_mem>>)
    %scan3A = arith.constant 0 : i32
    %scan3A_62 = arith.constant 0 : i32
    %scan3A_63 = arith.constant 39 : i32
    %scan3A_64 = arith.addi %scan3A_62, %scan3A_63 : i32
    %scan3A_65 = arith.constant 1 : i32
    scf.for %scan3A_266 = %scan3A_62 to %scan3A_64 step %scan3A_65  : i32 {
      %dma_wait3A_267 = arith.constant 0 : i32
      %dma_wait3A_268 = arith.constant 0 : i32
      %dma_wait3A_269 = arith.constant 0 : i32
      %dma_wait3A_270 = arith.constant 0 : i32
      %dma_wait3A_271 = tpu.memref_slice %arg6[%dma_wait3A_268, %dma_wait3A_269, %dma_wait3A_270] : memref<5x128x128xf32, #tpu.memory_space<vmem>> -> memref<1x128x128xf32, #tpu.memory_space<vmem>>
      %dma_wait3A_272 = tpu.memref_squeeze %dma_wait3A_271 : memref<1x128x128xf32, #tpu.memory_space<vmem>> -> memref<128x128xf32, #tpu.memory_space<vmem>>
      %dma_wait3A_273 = arith.constant 0 : i32
      %dma_wait3A_274 = tpu.memref_slice %arg5[%dma_wait3A_267, %dma_wait3A_273] : memref<200x128xi32, #tpu.memory_space<vmem>> -> memref<1x128xi32, #tpu.memory_space<vmem>>
      %dma_wait3A_275 = tpu.memref_squeeze %dma_wait3A_274 : memref<1x128xi32, #tpu.memory_space<vmem>> -> memref<128xi32, #tpu.memory_space<vmem>>
      %dma_wait3A_276 = arith.constant 0 : i32
      %dma_wait3A_277 = arith.constant 0 : i32
      %dma_wait3A_278 = tpu.memref_slice %arg3[%dma_wait3A_276, %dma_wait3A_277] : memref<100000x128xf32, #tpu.memory_space<hbm>> -> memref<100000x128xf32, #tpu.memory_space<hbm>>
      tpu.wait_indirect_dma semaphore(%arg7 : memref<!tpu.dma_semaphore, #tpu.memory_space<semaphore_mem>>) src(%dma_wait3A_278 : memref<100000x128xf32, #tpu.memory_space<hbm>>) dst(%dma_wait3A_272 : memref<128x128xf32, #tpu.memory_space<vmem>>)
      %mul3A_279 = arith.constant 5 : i32
      %mul3A_280 = arith.muli %scan3A_266, %mul3A_279 : i32
      %add3A_281 = arith.constant 0 : i32
      %add3A_282 = arith.addi %mul3A_280, %add3A_281 : i32
      %mul3A_283 = arith.constant 128 : i32
      %mul3A_284 = arith.muli %add3A_282, %mul3A_283 : i32
      %add3A_285 = arith.addi %mul3A_2, %mul3A_284 : i32
      %dma_start3A_286 = arith.constant 0 : i32
      %dma_start3A_287 = arith.constant 0 : i32
      %dma_start3A_288 = arith.constant 0 : i32
      %dma_start3A_289 = tpu.memref_slice %arg6[%dma_start3A_286, %dma_start3A_287, %dma_start3A_288] : memref<5x128x128xf32, #tpu.memory_space<vmem>> -> memref<1x128x128xf32, #tpu.memory_space<vmem>>
      %dma_start3A_290 = tpu.memref_squeeze %dma_start3A_289 : memref<1x128x128xf32, #tpu.memory_space<vmem>> -> memref<128x128xf32, #tpu.memory_space<vmem>>
      %dma_start3A_291 = arith.constant 0 : i32
      %dma_start3A_292 = tpu.memref_slice %arg4[%add3A_285, %dma_start3A_291] : memref<819200x128xf32, #tpu.memory_space<hbm>> -> memref<128x128xf32, #tpu.memory_space<hbm>>
      %dma_start3A_293 = arith.constant 0 : i32
      %dma_start3A_294 = tpu.memref_slice %arg4[%add3A_285, %dma_start3A_293] : memref<819200x128xf32, #tpu.memory_space<hbm>> -> memref<128x128xf32, #tpu.memory_space<hbm>>
      %dma_start3A_295 = arith.constant 0 : i32
      %dma_start3A_296 = arith.constant 0 : i32
      %dma_start3A_297 = tpu.memref_slice %arg6[%dma_start3A_286, %dma_start3A_295, %dma_start3A_296] : memref<5x128x128xf32, #tpu.memory_space<vmem>> -> memref<1x128x128xf32, #tpu.memory_space<vmem>>
      %dma_start3A_298 = tpu.memref_squeeze %dma_start3A_297 : memref<1x128x128xf32, #tpu.memory_space<vmem>> -> memref<128x128xf32, #tpu.memory_space<vmem>>
      tpu.enqueue_dma source(%dma_start3A_298 : memref<128x128xf32, #tpu.memory_space<vmem>>) target(%dma_start3A_294 : memref<128x128xf32, #tpu.memory_space<hbm>>) target_semaphore(%arg12 : memref<!tpu.dma_semaphore, #tpu.memory_space<semaphore_mem>>)
      %dma_wait3A_299 = arith.constant 0 : i32
      %dma_wait3A_300 = arith.constant 1 : i32
      %dma_wait3A_301 = arith.constant 0 : i32
      %dma_wait3A_302 = arith.constant 0 : i32
      %dma_wait3A_303 = tpu.memref_slice %arg6[%dma_wait3A_300, %dma_wait3A_301, %dma_wait3A_302] : memref<5x128x128xf32, #tpu.memory_space<vmem>> -> memref<1x128x128xf32, #tpu.memory_space<vmem>>
      %dma_wait3A_304 = tpu.memref_squeeze %dma_wait3A_303 : memref<1x128x128xf32, #tpu.memory_space<vmem>> -> memref<128x128xf32, #tpu.memory_space<vmem>>
      %dma_wait3A_305 = arith.constant 0 : i32
      %dma_wait3A_306 = tpu.memref_slice %arg5[%dma_wait3A_299, %dma_wait3A_305] : memref<200x128xi32, #tpu.memory_space<vmem>> -> memref<1x128xi32, #tpu.memory_space<vmem>>
      %dma_wait3A_307 = tpu.memref_squeeze %dma_wait3A_306 : memref<1x128xi32, #tpu.memory_space<vmem>> -> memref<128xi32, #tpu.memory_space<vmem>>
      %dma_wait3A_308 = arith.constant 0 : i32
      %dma_wait3A_309 = arith.constant 0 : i32
      %dma_wait3A_310 = tpu.memref_slice %arg3[%dma_wait3A_308, %dma_wait3A_309] : memref<100000x128xf32, #tpu.memory_space<hbm>> -> memref<100000x128xf32, #tpu.memory_space<hbm>>
      tpu.wait_indirect_dma semaphore(%arg8 : memref<!tpu.dma_semaphore, #tpu.memory_space<semaphore_mem>>) src(%dma_wait3A_310 : memref<100000x128xf32, #tpu.memory_space<hbm>>) dst(%dma_wait3A_304 : memref<128x128xf32, #tpu.memory_space<vmem>>)
      %mul3A_311 = arith.constant 5 : i32
      %mul3A_312 = arith.muli %scan3A_266, %mul3A_311 : i32
      %add3A_313 = arith.constant 1 : i32
      %add3A_314 = arith.addi %mul3A_312, %add3A_313 : i32
      %mul3A_315 = arith.constant 128 : i32
      %mul3A_316 = arith.muli %add3A_314, %mul3A_315 : i32
      %add3A_317 = arith.addi %mul3A_2, %mul3A_316 : i32
      %dma_start3A_318 = arith.constant 1 : i32
      %dma_start3A_319 = arith.constant 0 : i32
      %dma_start3A_320 = arith.constant 0 : i32
      %dma_start3A_321 = tpu.memref_slice %arg6[%dma_start3A_318, %dma_start3A_319, %dma_start3A_320] : memref<5x128x128xf32, #tpu.memory_space<vmem>> -> memref<1x128x128xf32, #tpu.memory_space<vmem>>
      %dma_start3A_322 = tpu.memref_squeeze %dma_start3A_321 : memref<1x128x128xf32, #tpu.memory_space<vmem>> -> memref<128x128xf32, #tpu.memory_space<vmem>>
      %dma_start3A_323 = arith.constant 0 : i32
      %dma_start3A_324 = tpu.memref_slice %arg4[%add3A_317, %dma_start3A_323] : memref<819200x128xf32, #tpu.memory_space<hbm>> -> memref<128x128xf32, #tpu.memory_space<hbm>>
      %dma_start3A_325 = arith.constant 0 : i32
      %dma_start3A_326 = tpu.memref_slice %arg4[%add3A_317, %dma_start3A_325] : memref<819200x128xf32, #tpu.memory_space<hbm>> -> memref<128x128xf32, #tpu.memory_space<hbm>>
      %dma_start3A_327 = arith.constant 0 : i32
      %dma_start3A_328 = arith.constant 0 : i32
      %dma_start3A_329 = tpu.memref_slice %arg6[%dma_start3A_318, %dma_start3A_327, %dma_start3A_328] : memref<5x128x128xf32, #tpu.memory_space<vmem>> -> memref<1x128x128xf32, #tpu.memory_space<vmem>>
      %dma_start3A_330 = tpu.memref_squeeze %dma_start3A_329 : memref<1x128x128xf32, #tpu.memory_space<vmem>> -> memref<128x128xf32, #tpu.memory_space<vmem>>
      tpu.enqueue_dma source(%dma_start3A_330 : memref<128x128xf32, #tpu.memory_space<vmem>>) target(%dma_start3A_326 : memref<128x128xf32, #tpu.memory_space<hbm>>) target_semaphore(%arg13 : memref<!tpu.dma_semaphore, #tpu.memory_space<semaphore_mem>>)
      %dma_wait3A_331 = arith.constant 0 : i32
      %dma_wait3A_332 = arith.constant 2 : i32
      %dma_wait3A_333 = arith.constant 0 : i32
      %dma_wait3A_334 = arith.constant 0 : i32
      %dma_wait3A_335 = tpu.memref_slice %arg6[%dma_wait3A_332, %dma_wait3A_333, %dma_wait3A_334] : memref<5x128x128xf32, #tpu.memory_space<vmem>> -> memref<1x128x128xf32, #tpu.memory_space<vmem>>
      %dma_wait3A_336 = tpu.memref_squeeze %dma_wait3A_335 : memref<1x128x128xf32, #tpu.memory_space<vmem>> -> memref<128x128xf32, #tpu.memory_space<vmem>>
      %dma_wait3A_337 = arith.constant 0 : i32
      %dma_wait3A_338 = tpu.memref_slice %arg5[%dma_wait3A_331, %dma_wait3A_337] : memref<200x128xi32, #tpu.memory_space<vmem>> -> memref<1x128xi32, #tpu.memory_space<vmem>>
      %dma_wait3A_339 = tpu.memref_squeeze %dma_wait3A_338 : memref<1x128xi32, #tpu.memory_space<vmem>> -> memref<128xi32, #tpu.memory_space<vmem>>
      %dma_wait3A_340 = arith.constant 0 : i32
      %dma_wait3A_341 = arith.constant 0 : i32
      %dma_wait3A_342 = tpu.memref_slice %arg3[%dma_wait3A_340, %dma_wait3A_341] : memref<100000x128xf32, #tpu.memory_space<hbm>> -> memref<100000x128xf32, #tpu.memory_space<hbm>>
      tpu.wait_indirect_dma semaphore(%arg9 : memref<!tpu.dma_semaphore, #tpu.memory_space<semaphore_mem>>) src(%dma_wait3A_342 : memref<100000x128xf32, #tpu.memory_space<hbm>>) dst(%dma_wait3A_336 : memref<128x128xf32, #tpu.memory_space<vmem>>)
      %mul3A_343 = arith.constant 5 : i32
      %mul3A_344 = arith.muli %scan3A_266, %mul3A_343 : i32
      %add3A_345 = arith.constant 2 : i32
      %add3A_346 = arith.addi %mul3A_344, %add3A_345 : i32
      %mul3A_347 = arith.constant 128 : i32
      %mul3A_348 = arith.muli %add3A_346, %mul3A_347 : i32
      %add3A_349 = arith.addi %mul3A_2, %mul3A_348 : i32
      %dma_start3A_350 = arith.constant 2 : i32
      %dma_start3A_351 = arith.constant 0 : i32
      %dma_start3A_352 = arith.constant 0 : i32
      %dma_start3A_353 = tpu.memref_slice %arg6[%dma_start3A_350, %dma_start3A_351, %dma_start3A_352] : memref<5x128x128xf32, #tpu.memory_space<vmem>> -> memref<1x128x128xf32, #tpu.memory_space<vmem>>
      %dma_start3A_354 = tpu.memref_squeeze %dma_start3A_353 : memref<1x128x128xf32, #tpu.memory_space<vmem>> -> memref<128x128xf32, #tpu.memory_space<vmem>>
      %dma_start3A_355 = arith.constant 0 : i32
      %dma_start3A_356 = tpu.memref_slice %arg4[%add3A_349, %dma_start3A_355] : memref<819200x128xf32, #tpu.memory_space<hbm>> -> memref<128x128xf32, #tpu.memory_space<hbm>>
      %dma_start3A_357 = arith.constant 0 : i32
      %dma_start3A_358 = tpu.memref_slice %arg4[%add3A_349, %dma_start3A_357] : memref<819200x128xf32, #tpu.memory_space<hbm>> -> memref<128x128xf32, #tpu.memory_space<hbm>>
      %dma_start3A_359 = arith.constant 0 : i32
      %dma_start3A_360 = arith.constant 0 : i32
      %dma_start3A_361 = tpu.memref_slice %arg6[%dma_start3A_350, %dma_start3A_359, %dma_start3A_360] : memref<5x128x128xf32, #tpu.memory_space<vmem>> -> memref<1x128x128xf32, #tpu.memory_space<vmem>>
      %dma_start3A_362 = tpu.memref_squeeze %dma_start3A_361 : memref<1x128x128xf32, #tpu.memory_space<vmem>> -> memref<128x128xf32, #tpu.memory_space<vmem>>
      tpu.enqueue_dma source(%dma_start3A_362 : memref<128x128xf32, #tpu.memory_space<vmem>>) target(%dma_start3A_358 : memref<128x128xf32, #tpu.memory_space<hbm>>) target_semaphore(%arg14 : memref<!tpu.dma_semaphore, #tpu.memory_space<semaphore_mem>>)
      %dma_wait3A_363 = arith.constant 0 : i32
      %dma_wait3A_364 = arith.constant 3 : i32
      %dma_wait3A_365 = arith.constant 0 : i32
      %dma_wait3A_366 = arith.constant 0 : i32
      %dma_wait3A_367 = tpu.memref_slice %arg6[%dma_wait3A_364, %dma_wait3A_365, %dma_wait3A_366] : memref<5x128x128xf32, #tpu.memory_space<vmem>> -> memref<1x128x128xf32, #tpu.memory_space<vmem>>
      %dma_wait3A_368 = tpu.memref_squeeze %dma_wait3A_367 : memref<1x128x128xf32, #tpu.memory_space<vmem>> -> memref<128x128xf32, #tpu.memory_space<vmem>>
      %dma_wait3A_369 = arith.constant 0 : i32
      %dma_wait3A_370 = tpu.memref_slice %arg5[%dma_wait3A_363, %dma_wait3A_369] : memref<200x128xi32, #tpu.memory_space<vmem>> -> memref<1x128xi32, #tpu.memory_space<vmem>>
      %dma_wait3A_371 = tpu.memref_squeeze %dma_wait3A_370 : memref<1x128xi32, #tpu.memory_space<vmem>> -> memref<128xi32, #tpu.memory_space<vmem>>
      %dma_wait3A_372 = arith.constant 0 : i32
      %dma_wait3A_373 = arith.constant 0 : i32
      %dma_wait3A_374 = tpu.memref_slice %arg3[%dma_wait3A_372, %dma_wait3A_373] : memref<100000x128xf32, #tpu.memory_space<hbm>> -> memref<100000x128xf32, #tpu.memory_space<hbm>>
      tpu.wait_indirect_dma semaphore(%arg10 : memref<!tpu.dma_semaphore, #tpu.memory_space<semaphore_mem>>) src(%dma_wait3A_374 : memref<100000x128xf32, #tpu.memory_space<hbm>>) dst(%dma_wait3A_368 : memref<128x128xf32, #tpu.memory_space<vmem>>)
      %mul3A_375 = arith.constant 5 : i32
      %mul3A_376 = arith.muli %scan3A_266, %mul3A_375 : i32
      %add3A_377 = arith.constant 3 : i32
      %add3A_378 = arith.addi %mul3A_376, %add3A_377 : i32
      %mul3A_379 = arith.constant 128 : i32
      %mul3A_380 = arith.muli %add3A_378, %mul3A_379 : i32
      %add3A_381 = arith.addi %mul3A_2, %mul3A_380 : i32
      %dma_start3A_382 = arith.constant 3 : i32
      %dma_start3A_383 = arith.constant 0 : i32
      %dma_start3A_384 = arith.constant 0 : i32
      %dma_start3A_385 = tpu.memref_slice %arg6[%dma_start3A_382, %dma_start3A_383, %dma_start3A_384] : memref<5x128x128xf32, #tpu.memory_space<vmem>> -> memref<1x128x128xf32, #tpu.memory_space<vmem>>
      %dma_start3A_386 = tpu.memref_squeeze %dma_start3A_385 : memref<1x128x128xf32, #tpu.memory_space<vmem>> -> memref<128x128xf32, #tpu.memory_space<vmem>>
      %dma_start3A_387 = arith.constant 0 : i32
      %dma_start3A_388 = tpu.memref_slice %arg4[%add3A_381, %dma_start3A_387] : memref<819200x128xf32, #tpu.memory_space<hbm>> -> memref<128x128xf32, #tpu.memory_space<hbm>>
      %dma_start3A_389 = arith.constant 0 : i32
      %dma_start3A_390 = tpu.memref_slice %arg4[%add3A_381, %dma_start3A_389] : memref<819200x128xf32, #tpu.memory_space<hbm>> -> memref<128x128xf32, #tpu.memory_space<hbm>>
      %dma_start3A_391 = arith.constant 0 : i32
      %dma_start3A_392 = arith.constant 0 : i32
      %dma_start3A_393 = tpu.memref_slice %arg6[%dma_start3A_382, %dma_start3A_391, %dma_start3A_392] : memref<5x128x128xf32, #tpu.memory_space<vmem>> -> memref<1x128x128xf32, #tpu.memory_space<vmem>>
      %dma_start3A_394 = tpu.memref_squeeze %dma_start3A_393 : memref<1x128x128xf32, #tpu.memory_space<vmem>> -> memref<128x128xf32, #tpu.memory_space<vmem>>
      tpu.enqueue_dma source(%dma_start3A_394 : memref<128x128xf32, #tpu.memory_space<vmem>>) target(%dma_start3A_390 : memref<128x128xf32, #tpu.memory_space<hbm>>) target_semaphore(%arg15 : memref<!tpu.dma_semaphore, #tpu.memory_space<semaphore_mem>>)
      %dma_wait3A_395 = arith.constant 0 : i32
      %dma_wait3A_396 = arith.constant 4 : i32
      %dma_wait3A_397 = arith.constant 0 : i32
      %dma_wait3A_398 = arith.constant 0 : i32
      %dma_wait3A_399 = tpu.memref_slice %arg6[%dma_wait3A_396, %dma_wait3A_397, %dma_wait3A_398] : memref<5x128x128xf32, #tpu.memory_space<vmem>> -> memref<1x128x128xf32, #tpu.memory_space<vmem>>
      %dma_wait3A_400 = tpu.memref_squeeze %dma_wait3A_399 : memref<1x128x128xf32, #tpu.memory_space<vmem>> -> memref<128x128xf32, #tpu.memory_space<vmem>>
      %dma_wait3A_401 = arith.constant 0 : i32
      %dma_wait3A_402 = tpu.memref_slice %arg5[%dma_wait3A_395, %dma_wait3A_401] : memref<200x128xi32, #tpu.memory_space<vmem>> -> memref<1x128xi32, #tpu.memory_space<vmem>>
      %dma_wait3A_403 = tpu.memref_squeeze %dma_wait3A_402 : memref<1x128xi32, #tpu.memory_space<vmem>> -> memref<128xi32, #tpu.memory_space<vmem>>
      %dma_wait3A_404 = arith.constant 0 : i32
      %dma_wait3A_405 = arith.constant 0 : i32
      %dma_wait3A_406 = tpu.memref_slice %arg3[%dma_wait3A_404, %dma_wait3A_405] : memref<100000x128xf32, #tpu.memory_space<hbm>> -> memref<100000x128xf32, #tpu.memory_space<hbm>>
      tpu.wait_indirect_dma semaphore(%arg11 : memref<!tpu.dma_semaphore, #tpu.memory_space<semaphore_mem>>) src(%dma_wait3A_406 : memref<100000x128xf32, #tpu.memory_space<hbm>>) dst(%dma_wait3A_400 : memref<128x128xf32, #tpu.memory_space<vmem>>)
      %mul3A_407 = arith.constant 5 : i32
      %mul3A_408 = arith.muli %scan3A_266, %mul3A_407 : i32
      %add3A_409 = arith.constant 4 : i32
      %add3A_410 = arith.addi %mul3A_408, %add3A_409 : i32
      %mul3A_411 = arith.constant 128 : i32
      %mul3A_412 = arith.muli %add3A_410, %mul3A_411 : i32
      %add3A_413 = arith.addi %mul3A_2, %mul3A_412 : i32
      %dma_start3A_414 = arith.constant 4 : i32
      %dma_start3A_415 = arith.constant 0 : i32
      %dma_start3A_416 = arith.constant 0 : i32
      %dma_start3A_417 = tpu.memref_slice %arg6[%dma_start3A_414, %dma_start3A_415, %dma_start3A_416] : memref<5x128x128xf32, #tpu.memory_space<vmem>> -> memref<1x128x128xf32, #tpu.memory_space<vmem>>
      %dma_start3A_418 = tpu.memref_squeeze %dma_start3A_417 : memref<1x128x128xf32, #tpu.memory_space<vmem>> -> memref<128x128xf32, #tpu.memory_space<vmem>>
      %dma_start3A_419 = arith.constant 0 : i32
      %dma_start3A_420 = tpu.memref_slice %arg4[%add3A_413, %dma_start3A_419] : memref<819200x128xf32, #tpu.memory_space<hbm>> -> memref<128x128xf32, #tpu.memory_space<hbm>>
      %dma_start3A_421 = arith.constant 0 : i32
      %dma_start3A_422 = tpu.memref_slice %arg4[%add3A_413, %dma_start3A_421] : memref<819200x128xf32, #tpu.memory_space<hbm>> -> memref<128x128xf32, #tpu.memory_space<hbm>>
      %dma_start3A_423 = arith.constant 0 : i32
      %dma_start3A_424 = arith.constant 0 : i32
      %dma_start3A_425 = tpu.memref_slice %arg6[%dma_start3A_414, %dma_start3A_423, %dma_start3A_424] : memref<5x128x128xf32, #tpu.memory_space<vmem>> -> memref<1x128x128xf32, #tpu.memory_space<vmem>>
      %dma_start3A_426 = tpu.memref_squeeze %dma_start3A_425 : memref<1x128x128xf32, #tpu.memory_space<vmem>> -> memref<128x128xf32, #tpu.memory_space<vmem>>
      tpu.enqueue_dma source(%dma_start3A_426 : memref<128x128xf32, #tpu.memory_space<vmem>>) target(%dma_start3A_422 : memref<128x128xf32, #tpu.memory_space<hbm>>) target_semaphore(%arg16 : memref<!tpu.dma_semaphore, #tpu.memory_space<semaphore_mem>>)
      %dma_wait3A_427 = arith.constant 0 : i32
      %dma_wait3A_428 = arith.constant 0 : i32
      %dma_wait3A_429 = arith.constant 0 : i32
      %dma_wait3A_430 = tpu.memref_slice %arg6[%dma_wait3A_427, %dma_wait3A_428, %dma_wait3A_429] : memref<5x128x128xf32, #tpu.memory_space<vmem>> -> memref<1x128x128xf32, #tpu.memory_space<vmem>>
      %dma_wait3A_431 = tpu.memref_squeeze %dma_wait3A_430 : memref<1x128x128xf32, #tpu.memory_space<vmem>> -> memref<128x128xf32, #tpu.memory_space<vmem>>
      %dma_wait3A_432 = arith.constant 0 : i32
      %dma_wait3A_433 = tpu.memref_slice %arg4[%mul3A_2, %dma_wait3A_432] : memref<819200x128xf32, #tpu.memory_space<hbm>> -> memref<128x128xf32, #tpu.memory_space<hbm>>
      %dma_wait3A_434 = arith.constant 0 : i32
      %dma_wait3A_435 = tpu.memref_slice %arg4[%mul3A_2, %dma_wait3A_434] : memref<819200x128xf32, #tpu.memory_space<hbm>> -> memref<128x128xf32, #tpu.memory_space<hbm>>
      %dma_wait3A_436 = arith.constant 0 : i32
      %dma_wait3A_437 = arith.constant 0 : i32
      %dma_wait3A_438 = tpu.memref_slice %arg6[%dma_wait3A_427, %dma_wait3A_436, %dma_wait3A_437] : memref<5x128x128xf32, #tpu.memory_space<vmem>> -> memref<1x128x128xf32, #tpu.memory_space<vmem>>
      %dma_wait3A_439 = tpu.memref_squeeze %dma_wait3A_438 : memref<1x128x128xf32, #tpu.memory_space<vmem>> -> memref<128x128xf32, #tpu.memory_space<vmem>>
      tpu.wait_dma2 semaphore(%arg12 : memref<!tpu.dma_semaphore, #tpu.memory_space<semaphore_mem>>) src(%dma_wait3A_439 : memref<128x128xf32, #tpu.memory_space<vmem>>) dst(%dma_wait3A_435 : memref<128x128xf32, #tpu.memory_space<hbm>>)
      %add3A_440 = arith.constant 1 : i32
      %add3A_441 = arith.addi %scan3A_266, %add3A_440 : i32
      %mul3A_442 = arith.constant 5 : i32
      %mul3A_443 = arith.muli %add3A_441, %mul3A_442 : i32
      %add3A_444 = arith.constant 0 : i32
      %add3A_445 = arith.addi %mul3A_443, %add3A_444 : i32
      %dma_start3A_446 = arith.constant 0 : i32
      %dma_start3A_447 = arith.constant 0 : i32
      %dma_start3A_448 = arith.constant 0 : i32
      %dma_start3A_449 = tpu.memref_slice %arg6[%dma_start3A_446, %dma_start3A_447, %dma_start3A_448] : memref<5x128x128xf32, #tpu.memory_space<vmem>> -> memref<1x128x128xf32, #tpu.memory_space<vmem>>
      %dma_start3A_450 = tpu.memref_squeeze %dma_start3A_449 : memref<1x128x128xf32, #tpu.memory_space<vmem>> -> memref<128x128xf32, #tpu.memory_space<vmem>>
      %dma_start3A_451 = arith.constant 0 : i32
      %dma_start3A_452 = tpu.memref_slice %arg5[%add3A_445, %dma_start3A_451] : memref<200x128xi32, #tpu.memory_space<vmem>> -> memref<1x128xi32, #tpu.memory_space<vmem>>
      %dma_start3A_453 = tpu.memref_squeeze %dma_start3A_452 : memref<1x128xi32, #tpu.memory_space<vmem>> -> memref<128xi32, #tpu.memory_space<vmem>>
      %dma_start3A_454 = arith.constant 0 : i32
      %dma_start3A_455 = arith.constant 0 : i32
      %dma_start3A_456 = tpu.memref_slice %arg3[%dma_start3A_454, %dma_start3A_455] : memref<100000x128xf32, #tpu.memory_space<hbm>> -> memref<100000x128xf32, #tpu.memory_space<hbm>>
      tpu.enqueue_indirect_dma source(%dma_start3A_456 : memref<100000x128xf32, #tpu.memory_space<hbm>>) target(%dma_start3A_450 : memref<128x128xf32, #tpu.memory_space<vmem>>) offsets(%dma_start3A_453 : memref<128xi32, #tpu.memory_space<vmem>>) semaphore(%arg7 : memref<!tpu.dma_semaphore, #tpu.memory_space<semaphore_mem>>)
      %dma_wait3A_457 = arith.constant 1 : i32
      %dma_wait3A_458 = arith.constant 0 : i32
      %dma_wait3A_459 = arith.constant 0 : i32
      %dma_wait3A_460 = tpu.memref_slice %arg6[%dma_wait3A_457, %dma_wait3A_458, %dma_wait3A_459] : memref<5x128x128xf32, #tpu.memory_space<vmem>> -> memref<1x128x128xf32, #tpu.memory_space<vmem>>
      %dma_wait3A_461 = tpu.memref_squeeze %dma_wait3A_460 : memref<1x128x128xf32, #tpu.memory_space<vmem>> -> memref<128x128xf32, #tpu.memory_space<vmem>>
      %dma_wait3A_462 = arith.constant 0 : i32
      %dma_wait3A_463 = tpu.memref_slice %arg4[%mul3A_2, %dma_wait3A_462] : memref<819200x128xf32, #tpu.memory_space<hbm>> -> memref<128x128xf32, #tpu.memory_space<hbm>>
      %dma_wait3A_464 = arith.constant 0 : i32
      %dma_wait3A_465 = tpu.memref_slice %arg4[%mul3A_2, %dma_wait3A_464] : memref<819200x128xf32, #tpu.memory_space<hbm>> -> memref<128x128xf32, #tpu.memory_space<hbm>>
      %dma_wait3A_466 = arith.constant 0 : i32
      %dma_wait3A_467 = arith.constant 0 : i32
      %dma_wait3A_468 = tpu.memref_slice %arg6[%dma_wait3A_457, %dma_wait3A_466, %dma_wait3A_467] : memref<5x128x128xf32, #tpu.memory_space<vmem>> -> memref<1x128x128xf32, #tpu.memory_space<vmem>>
      %dma_wait3A_469 = tpu.memref_squeeze %dma_wait3A_468 : memref<1x128x128xf32, #tpu.memory_space<vmem>> -> memref<128x128xf32, #tpu.memory_space<vmem>>
      tpu.wait_dma2 semaphore(%arg13 : memref<!tpu.dma_semaphore, #tpu.memory_space<semaphore_mem>>) src(%dma_wait3A_469 : memref<128x128xf32, #tpu.memory_space<vmem>>) dst(%dma_wait3A_465 : memref<128x128xf32, #tpu.memory_space<hbm>>)
      %add3A_470 = arith.constant 1 : i32
      %add3A_471 = arith.addi %scan3A_266, %add3A_470 : i32
      %mul3A_472 = arith.constant 5 : i32
      %mul3A_473 = arith.muli %add3A_471, %mul3A_472 : i32
      %add3A_474 = arith.constant 1 : i32
      %add3A_475 = arith.addi %mul3A_473, %add3A_474 : i32
      %dma_start3A_476 = arith.constant 1 : i32
      %dma_start3A_477 = arith.constant 0 : i32
      %dma_start3A_478 = arith.constant 0 : i32
      %dma_start3A_479 = tpu.memref_slice %arg6[%dma_start3A_476, %dma_start3A_477, %dma_start3A_478] : memref<5x128x128xf32, #tpu.memory_space<vmem>> -> memref<1x128x128xf32, #tpu.memory_space<vmem>>
      %dma_start3A_480 = tpu.memref_squeeze %dma_start3A_479 : memref<1x128x128xf32, #tpu.memory_space<vmem>> -> memref<128x128xf32, #tpu.memory_space<vmem>>
      %dma_start3A_481 = arith.constant 0 : i32
      %dma_start3A_482 = tpu.memref_slice %arg5[%add3A_475, %dma_start3A_481] : memref<200x128xi32, #tpu.memory_space<vmem>> -> memref<1x128xi32, #tpu.memory_space<vmem>>
      %dma_start3A_483 = tpu.memref_squeeze %dma_start3A_482 : memref<1x128xi32, #tpu.memory_space<vmem>> -> memref<128xi32, #tpu.memory_space<vmem>>
      %dma_start3A_484 = arith.constant 0 : i32
      %dma_start3A_485 = arith.constant 0 : i32
      %dma_start3A_486 = tpu.memref_slice %arg3[%dma_start3A_484, %dma_start3A_485] : memref<100000x128xf32, #tpu.memory_space<hbm>> -> memref<100000x128xf32, #tpu.memory_space<hbm>>
      tpu.enqueue_indirect_dma source(%dma_start3A_486 : memref<100000x128xf32, #tpu.memory_space<hbm>>) target(%dma_start3A_480 : memref<128x128xf32, #tpu.memory_space<vmem>>) offsets(%dma_start3A_483 : memref<128xi32, #tpu.memory_space<vmem>>) semaphore(%arg8 : memref<!tpu.dma_semaphore, #tpu.memory_space<semaphore_mem>>)
      %dma_wait3A_487 = arith.constant 2 : i32
      %dma_wait3A_488 = arith.constant 0 : i32
      %dma_wait3A_489 = arith.constant 0 : i32
      %dma_wait3A_490 = tpu.memref_slice %arg6[%dma_wait3A_487, %dma_wait3A_488, %dma_wait3A_489] : memref<5x128x128xf32, #tpu.memory_space<vmem>> -> memref<1x128x128xf32, #tpu.memory_space<vmem>>
      %dma_wait3A_491 = tpu.memref_squeeze %dma_wait3A_490 : memref<1x128x128xf32, #tpu.memory_space<vmem>> -> memref<128x128xf32, #tpu.memory_space<vmem>>
      %dma_wait3A_492 = arith.constant 0 : i32
      %dma_wait3A_493 = tpu.memref_slice %arg4[%mul3A_2, %dma_wait3A_492] : memref<819200x128xf32, #tpu.memory_space<hbm>> -> memref<128x128xf32, #tpu.memory_space<hbm>>
      %dma_wait3A_494 = arith.constant 0 : i32
      %dma_wait3A_495 = tpu.memref_slice %arg4[%mul3A_2, %dma_wait3A_494] : memref<819200x128xf32, #tpu.memory_space<hbm>> -> memref<128x128xf32, #tpu.memory_space<hbm>>
      %dma_wait3A_496 = arith.constant 0 : i32
      %dma_wait3A_497 = arith.constant 0 : i32
      %dma_wait3A_498 = tpu.memref_slice %arg6[%dma_wait3A_487, %dma_wait3A_496, %dma_wait3A_497] : memref<5x128x128xf32, #tpu.memory_space<vmem>> -> memref<1x128x128xf32, #tpu.memory_space<vmem>>
      %dma_wait3A_499 = tpu.memref_squeeze %dma_wait3A_498 : memref<1x128x128xf32, #tpu.memory_space<vmem>> -> memref<128x128xf32, #tpu.memory_space<vmem>>
      tpu.wait_dma2 semaphore(%arg14 : memref<!tpu.dma_semaphore, #tpu.memory_space<semaphore_mem>>) src(%dma_wait3A_499 : memref<128x128xf32, #tpu.memory_space<vmem>>) dst(%dma_wait3A_495 : memref<128x128xf32, #tpu.memory_space<hbm>>)
      %add3A_500 = arith.constant 1 : i32
      %add3A_501 = arith.addi %scan3A_266, %add3A_500 : i32
      %mul3A_502 = arith.constant 5 : i32
      %mul3A_503 = arith.muli %add3A_501, %mul3A_502 : i32
      %add3A_504 = arith.constant 2 : i32
      %add3A_505 = arith.addi %mul3A_503, %add3A_504 : i32
      %dma_start3A_506 = arith.constant 2 : i32
      %dma_start3A_507 = arith.constant 0 : i32
      %dma_start3A_508 = arith.constant 0 : i32
      %dma_start3A_509 = tpu.memref_slice %arg6[%dma_start3A_506, %dma_start3A_507, %dma_start3A_508] : memref<5x128x128xf32, #tpu.memory_space<vmem>> -> memref<1x128x128xf32, #tpu.memory_space<vmem>>
      %dma_start3A_510 = tpu.memref_squeeze %dma_start3A_509 : memref<1x128x128xf32, #tpu.memory_space<vmem>> -> memref<128x128xf32, #tpu.memory_space<vmem>>
      %dma_start3A_511 = arith.constant 0 : i32
      %dma_start3A_512 = tpu.memref_slice %arg5[%add3A_505, %dma_start3A_511] : memref<200x128xi32, #tpu.memory_space<vmem>> -> memref<1x128xi32, #tpu.memory_space<vmem>>
      %dma_start3A_513 = tpu.memref_squeeze %dma_start3A_512 : memref<1x128xi32, #tpu.memory_space<vmem>> -> memref<128xi32, #tpu.memory_space<vmem>>
      %dma_start3A_514 = arith.constant 0 : i32
      %dma_start3A_515 = arith.constant 0 : i32
      %dma_start3A_516 = tpu.memref_slice %arg3[%dma_start3A_514, %dma_start3A_515] : memref<100000x128xf32, #tpu.memory_space<hbm>> -> memref<100000x128xf32, #tpu.memory_space<hbm>>
      tpu.enqueue_indirect_dma source(%dma_start3A_516 : memref<100000x128xf32, #tpu.memory_space<hbm>>) target(%dma_start3A_510 : memref<128x128xf32, #tpu.memory_space<vmem>>) offsets(%dma_start3A_513 : memref<128xi32, #tpu.memory_space<vmem>>) semaphore(%arg9 : memref<!tpu.dma_semaphore, #tpu.memory_space<semaphore_mem>>)
      %dma_wait3A_517 = arith.constant 3 : i32
      %dma_wait3A_518 = arith.constant 0 : i32
      %dma_wait3A_519 = arith.constant 0 : i32
      %dma_wait3A_520 = tpu.memref_slice %arg6[%dma_wait3A_517, %dma_wait3A_518, %dma_wait3A_519] : memref<5x128x128xf32, #tpu.memory_space<vmem>> -> memref<1x128x128xf32, #tpu.memory_space<vmem>>
      %dma_wait3A_521 = tpu.memref_squeeze %dma_wait3A_520 : memref<1x128x128xf32, #tpu.memory_space<vmem>> -> memref<128x128xf32, #tpu.memory_space<vmem>>
      %dma_wait3A_522 = arith.constant 0 : i32
      %dma_wait3A_523 = tpu.memref_slice %arg4[%mul3A_2, %dma_wait3A_522] : memref<819200x128xf32, #tpu.memory_space<hbm>> -> memref<128x128xf32, #tpu.memory_space<hbm>>
      %dma_wait3A_524 = arith.constant 0 : i32
      %dma_wait3A_525 = tpu.memref_slice %arg4[%mul3A_2, %dma_wait3A_524] : memref<819200x128xf32, #tpu.memory_space<hbm>> -> memref<128x128xf32, #tpu.memory_space<hbm>>
      %dma_wait3A_526 = arith.constant 0 : i32
      %dma_wait3A_527 = arith.constant 0 : i32
      %dma_wait3A_528 = tpu.memref_slice %arg6[%dma_wait3A_517, %dma_wait3A_526, %dma_wait3A_527] : memref<5x128x128xf32, #tpu.memory_space<vmem>> -> memref<1x128x128xf32, #tpu.memory_space<vmem>>
      %dma_wait3A_529 = tpu.memref_squeeze %dma_wait3A_528 : memref<1x128x128xf32, #tpu.memory_space<vmem>> -> memref<128x128xf32, #tpu.memory_space<vmem>>
      tpu.wait_dma2 semaphore(%arg15 : memref<!tpu.dma_semaphore, #tpu.memory_space<semaphore_mem>>) src(%dma_wait3A_529 : memref<128x128xf32, #tpu.memory_space<vmem>>) dst(%dma_wait3A_525 : memref<128x128xf32, #tpu.memory_space<hbm>>)
      %add3A_530 = arith.constant 1 : i32
      %add3A_531 = arith.addi %scan3A_266, %add3A_530 : i32
      %mul3A_532 = arith.constant 5 : i32
      %mul3A_533 = arith.muli %add3A_531, %mul3A_532 : i32
      %add3A_534 = arith.constant 3 : i32
      %add3A_535 = arith.addi %mul3A_533, %add3A_534 : i32
      %dma_start3A_536 = arith.constant 3 : i32
      %dma_start3A_537 = arith.constant 0 : i32
      %dma_start3A_538 = arith.constant 0 : i32
      %dma_start3A_539 = tpu.memref_slice %arg6[%dma_start3A_536, %dma_start3A_537, %dma_start3A_538] : memref<5x128x128xf32, #tpu.memory_space<vmem>> -> memref<1x128x128xf32, #tpu.memory_space<vmem>>
      %dma_start3A_540 = tpu.memref_squeeze %dma_start3A_539 : memref<1x128x128xf32, #tpu.memory_space<vmem>> -> memref<128x128xf32, #tpu.memory_space<vmem>>
      %dma_start3A_541 = arith.constant 0 : i32
      %dma_start3A_542 = tpu.memref_slice %arg5[%add3A_535, %dma_start3A_541] : memref<200x128xi32, #tpu.memory_space<vmem>> -> memref<1x128xi32, #tpu.memory_space<vmem>>
      %dma_start3A_543 = tpu.memref_squeeze %dma_start3A_542 : memref<1x128xi32, #tpu.memory_space<vmem>> -> memref<128xi32, #tpu.memory_space<vmem>>
      %dma_start3A_544 = arith.constant 0 : i32
      %dma_start3A_545 = arith.constant 0 : i32
      %dma_start3A_546 = tpu.memref_slice %arg3[%dma_start3A_544, %dma_start3A_545] : memref<100000x128xf32, #tpu.memory_space<hbm>> -> memref<100000x128xf32, #tpu.memory_space<hbm>>
      tpu.enqueue_indirect_dma source(%dma_start3A_546 : memref<100000x128xf32, #tpu.memory_space<hbm>>) target(%dma_start3A_540 : memref<128x128xf32, #tpu.memory_space<vmem>>) offsets(%dma_start3A_543 : memref<128xi32, #tpu.memory_space<vmem>>) semaphore(%arg10 : memref<!tpu.dma_semaphore, #tpu.memory_space<semaphore_mem>>)
      %dma_wait3A_547 = arith.constant 4 : i32
      %dma_wait3A_548 = arith.constant 0 : i32
      %dma_wait3A_549 = arith.constant 0 : i32
      %dma_wait3A_550 = tpu.memref_slice %arg6[%dma_wait3A_547, %dma_wait3A_548, %dma_wait3A_549] : memref<5x128x128xf32, #tpu.memory_space<vmem>> -> memref<1x128x128xf32, #tpu.memory_space<vmem>>
      %dma_wait3A_551 = tpu.memref_squeeze %dma_wait3A_550 : memref<1x128x128xf32, #tpu.memory_space<vmem>> -> memref<128x128xf32, #tpu.memory_space<vmem>>
      %dma_wait3A_552 = arith.constant 0 : i32
      %dma_wait3A_553 = tpu.memref_slice %arg4[%mul3A_2, %dma_wait3A_552] : memref<819200x128xf32, #tpu.memory_space<hbm>> -> memref<128x128xf32, #tpu.memory_space<hbm>>
      %dma_wait3A_554 = arith.constant 0 : i32
      %dma_wait3A_555 = tpu.memref_slice %arg4[%mul3A_2, %dma_wait3A_554] : memref<819200x128xf32, #tpu.memory_space<hbm>> -> memref<128x128xf32, #tpu.memory_space<hbm>>
      %dma_wait3A_556 = arith.constant 0 : i32
      %dma_wait3A_557 = arith.constant 0 : i32
      %dma_wait3A_558 = tpu.memref_slice %arg6[%dma_wait3A_547, %dma_wait3A_556, %dma_wait3A_557] : memref<5x128x128xf32, #tpu.memory_space<vmem>> -> memref<1x128x128xf32, #tpu.memory_space<vmem>>
      %dma_wait3A_559 = tpu.memref_squeeze %dma_wait3A_558 : memref<1x128x128xf32, #tpu.memory_space<vmem>> -> memref<128x128xf32, #tpu.memory_space<vmem>>
      tpu.wait_dma2 semaphore(%arg16 : memref<!tpu.dma_semaphore, #tpu.memory_space<semaphore_mem>>) src(%dma_wait3A_559 : memref<128x128xf32, #tpu.memory_space<vmem>>) dst(%dma_wait3A_555 : memref<128x128xf32, #tpu.memory_space<hbm>>)
      %add3A_560 = arith.constant 1 : i32
      %add3A_561 = arith.addi %scan3A_266, %add3A_560 : i32
      %mul3A_562 = arith.constant 5 : i32
      %mul3A_563 = arith.muli %add3A_561, %mul3A_562 : i32
      %add3A_564 = arith.constant 4 : i32
      %add3A_565 = arith.addi %mul3A_563, %add3A_564 : i32
      %dma_start3A_566 = arith.constant 4 : i32
      %dma_start3A_567 = arith.constant 0 : i32
      %dma_start3A_568 = arith.constant 0 : i32
      %dma_start3A_569 = tpu.memref_slice %arg6[%dma_start3A_566, %dma_start3A_567, %dma_start3A_568] : memref<5x128x128xf32, #tpu.memory_space<vmem>> -> memref<1x128x128xf32, #tpu.memory_space<vmem>>
      %dma_start3A_570 = tpu.memref_squeeze %dma_start3A_569 : memref<1x128x128xf32, #tpu.memory_space<vmem>> -> memref<128x128xf32, #tpu.memory_space<vmem>>
      %dma_start3A_571 = arith.constant 0 : i32
      %dma_start3A_572 = tpu.memref_slice %arg5[%add3A_565, %dma_start3A_571] : memref<200x128xi32, #tpu.memory_space<vmem>> -> memref<1x128xi32, #tpu.memory_space<vmem>>
      %dma_start3A_573 = tpu.memref_squeeze %dma_start3A_572 : memref<1x128xi32, #tpu.memory_space<vmem>> -> memref<128xi32, #tpu.memory_space<vmem>>
      %dma_start3A_574 = arith.constant 0 : i32
      %dma_start3A_575 = arith.constant 0 : i32
      %dma_start3A_576 = tpu.memref_slice %arg3[%dma_start3A_574, %dma_start3A_575] : memref<100000x128xf32, #tpu.memory_space<hbm>> -> memref<100000x128xf32, #tpu.memory_space<hbm>>
      tpu.enqueue_indirect_dma source(%dma_start3A_576 : memref<100000x128xf32, #tpu.memory_space<hbm>>) target(%dma_start3A_570 : memref<128x128xf32, #tpu.memory_space<vmem>>) offsets(%dma_start3A_573 : memref<128xi32, #tpu.memory_space<vmem>>) semaphore(%arg11 : memref<!tpu.dma_semaphore, #tpu.memory_space<semaphore_mem>>)
    }
    %scan3A_66 = arith.constant 39 : i32
    %dma_wait3A = arith.constant 0 : i32
    %dma_wait3A_67 = arith.constant 0 : i32
    %dma_wait3A_68 = arith.constant 0 : i32
    %dma_wait3A_69 = arith.constant 0 : i32
    %dma_wait3A_70 = tpu.memref_slice %arg6[%dma_wait3A_67, %dma_wait3A_68, %dma_wait3A_69] : memref<5x128x128xf32, #tpu.memory_space<vmem>> -> memref<1x128x128xf32, #tpu.memory_space<vmem>>
    %dma_wait3A_71 = tpu.memref_squeeze %dma_wait3A_70 : memref<1x128x128xf32, #tpu.memory_space<vmem>> -> memref<128x128xf32, #tpu.memory_space<vmem>>
    %dma_wait3A_72 = arith.constant 0 : i32
    %dma_wait3A_73 = tpu.memref_slice %arg5[%dma_wait3A, %dma_wait3A_72] : memref<200x128xi32, #tpu.memory_space<vmem>> -> memref<1x128xi32, #tpu.memory_space<vmem>>
    %dma_wait3A_74 = tpu.memref_squeeze %dma_wait3A_73 : memref<1x128xi32, #tpu.memory_space<vmem>> -> memref<128xi32, #tpu.memory_space<vmem>>
    %dma_wait3A_75 = arith.constant 0 : i32
    %dma_wait3A_76 = arith.constant 0 : i32
    %dma_wait3A_77 = tpu.memref_slice %arg3[%dma_wait3A_75, %dma_wait3A_76] : memref<100000x128xf32, #tpu.memory_space<hbm>> -> memref<100000x128xf32, #tpu.memory_space<hbm>>
    tpu.wait_indirect_dma semaphore(%arg7 : memref<!tpu.dma_semaphore, #tpu.memory_space<semaphore_mem>>) src(%dma_wait3A_77 : memref<100000x128xf32, #tpu.memory_space<hbm>>) dst(%dma_wait3A_71 : memref<128x128xf32, #tpu.memory_space<vmem>>)
    %add3A_78 = arith.constant 24960 : i32
    %add3A_79 = arith.addi %mul3A_2, %add3A_78 : i32
    %dma_start3A_80 = arith.constant 0 : i32
    %dma_start3A_81 = arith.constant 0 : i32
    %dma_start3A_82 = arith.constant 0 : i32
    %dma_start3A_83 = tpu.memref_slice %arg6[%dma_start3A_80, %dma_start3A_81, %dma_start3A_82] : memref<5x128x128xf32, #tpu.memory_space<vmem>> -> memref<1x128x128xf32, #tpu.memory_space<vmem>>
    %dma_start3A_84 = tpu.memref_squeeze %dma_start3A_83 : memref<1x128x128xf32, #tpu.memory_space<vmem>> -> memref<128x128xf32, #tpu.memory_space<vmem>>
    %dma_start3A_85 = arith.constant 0 : i32
    %dma_start3A_86 = tpu.memref_slice %arg4[%add3A_79, %dma_start3A_85] : memref<819200x128xf32, #tpu.memory_space<hbm>> -> memref<128x128xf32, #tpu.memory_space<hbm>>
    %dma_start3A_87 = arith.constant 0 : i32
    %dma_start3A_88 = tpu.memref_slice %arg4[%add3A_79, %dma_start3A_87] : memref<819200x128xf32, #tpu.memory_space<hbm>> -> memref<128x128xf32, #tpu.memory_space<hbm>>
    %dma_start3A_89 = arith.constant 0 : i32
    %dma_start3A_90 = arith.constant 0 : i32
    %dma_start3A_91 = tpu.memref_slice %arg6[%dma_start3A_80, %dma_start3A_89, %dma_start3A_90] : memref<5x128x128xf32, #tpu.memory_space<vmem>> -> memref<1x128x128xf32, #tpu.memory_space<vmem>>
    %dma_start3A_92 = tpu.memref_squeeze %dma_start3A_91 : memref<1x128x128xf32, #tpu.memory_space<vmem>> -> memref<128x128xf32, #tpu.memory_space<vmem>>
    tpu.enqueue_dma source(%dma_start3A_92 : memref<128x128xf32, #tpu.memory_space<vmem>>) target(%dma_start3A_88 : memref<128x128xf32, #tpu.memory_space<hbm>>) target_semaphore(%arg12 : memref<!tpu.dma_semaphore, #tpu.memory_space<semaphore_mem>>)
    %dma_wait3A_93 = arith.constant 0 : i32
    %dma_wait3A_94 = arith.constant 1 : i32
    %dma_wait3A_95 = arith.constant 0 : i32
    %dma_wait3A_96 = arith.constant 0 : i32
    %dma_wait3A_97 = tpu.memref_slice %arg6[%dma_wait3A_94, %dma_wait3A_95, %dma_wait3A_96] : memref<5x128x128xf32, #tpu.memory_space<vmem>> -> memref<1x128x128xf32, #tpu.memory_space<vmem>>
    %dma_wait3A_98 = tpu.memref_squeeze %dma_wait3A_97 : memref<1x128x128xf32, #tpu.memory_space<vmem>> -> memref<128x128xf32, #tpu.memory_space<vmem>>
    %dma_wait3A_99 = arith.constant 0 : i32
    %dma_wait3A_100 = tpu.memref_slice %arg5[%dma_wait3A_93, %dma_wait3A_99] : memref<200x128xi32, #tpu.memory_space<vmem>> -> memref<1x128xi32, #tpu.memory_space<vmem>>
    %dma_wait3A_101 = tpu.memref_squeeze %dma_wait3A_100 : memref<1x128xi32, #tpu.memory_space<vmem>> -> memref<128xi32, #tpu.memory_space<vmem>>
    %dma_wait3A_102 = arith.constant 0 : i32
    %dma_wait3A_103 = arith.constant 0 : i32
    %dma_wait3A_104 = tpu.memref_slice %arg3[%dma_wait3A_102, %dma_wait3A_103] : memref<100000x128xf32, #tpu.memory_space<hbm>> -> memref<100000x128xf32, #tpu.memory_space<hbm>>
    tpu.wait_indirect_dma semaphore(%arg8 : memref<!tpu.dma_semaphore, #tpu.memory_space<semaphore_mem>>) src(%dma_wait3A_104 : memref<100000x128xf32, #tpu.memory_space<hbm>>) dst(%dma_wait3A_98 : memref<128x128xf32, #tpu.memory_space<vmem>>)
    %add3A_105 = arith.constant 25088 : i32
    %add3A_106 = arith.addi %mul3A_2, %add3A_105 : i32
    %dma_start3A_107 = arith.constant 1 : i32
    %dma_start3A_108 = arith.constant 0 : i32
    %dma_start3A_109 = arith.constant 0 : i32
    %dma_start3A_110 = tpu.memref_slice %arg6[%dma_start3A_107, %dma_start3A_108, %dma_start3A_109] : memref<5x128x128xf32, #tpu.memory_space<vmem>> -> memref<1x128x128xf32, #tpu.memory_space<vmem>>
    %dma_start3A_111 = tpu.memref_squeeze %dma_start3A_110 : memref<1x128x128xf32, #tpu.memory_space<vmem>> -> memref<128x128xf32, #tpu.memory_space<vmem>>
    %dma_start3A_112 = arith.constant 0 : i32
    %dma_start3A_113 = tpu.memref_slice %arg4[%add3A_106, %dma_start3A_112] : memref<819200x128xf32, #tpu.memory_space<hbm>> -> memref<128x128xf32, #tpu.memory_space<hbm>>
    %dma_start3A_114 = arith.constant 0 : i32
    %dma_start3A_115 = tpu.memref_slice %arg4[%add3A_106, %dma_start3A_114] : memref<819200x128xf32, #tpu.memory_space<hbm>> -> memref<128x128xf32, #tpu.memory_space<hbm>>
    %dma_start3A_116 = arith.constant 0 : i32
    %dma_start3A_117 = arith.constant 0 : i32
    %dma_start3A_118 = tpu.memref_slice %arg6[%dma_start3A_107, %dma_start3A_116, %dma_start3A_117] : memref<5x128x128xf32, #tpu.memory_space<vmem>> -> memref<1x128x128xf32, #tpu.memory_space<vmem>>
    %dma_start3A_119 = tpu.memref_squeeze %dma_start3A_118 : memref<1x128x128xf32, #tpu.memory_space<vmem>> -> memref<128x128xf32, #tpu.memory_space<vmem>>
    tpu.enqueue_dma source(%dma_start3A_119 : memref<128x128xf32, #tpu.memory_space<vmem>>) target(%dma_start3A_115 : memref<128x128xf32, #tpu.memory_space<hbm>>) target_semaphore(%arg13 : memref<!tpu.dma_semaphore, #tpu.memory_space<semaphore_mem>>)
    %dma_wait3A_120 = arith.constant 0 : i32
    %dma_wait3A_121 = arith.constant 2 : i32
    %dma_wait3A_122 = arith.constant 0 : i32
    %dma_wait3A_123 = arith.constant 0 : i32
    %dma_wait3A_124 = tpu.memref_slice %arg6[%dma_wait3A_121, %dma_wait3A_122, %dma_wait3A_123] : memref<5x128x128xf32, #tpu.memory_space<vmem>> -> memref<1x128x128xf32, #tpu.memory_space<vmem>>
    %dma_wait3A_125 = tpu.memref_squeeze %dma_wait3A_124 : memref<1x128x128xf32, #tpu.memory_space<vmem>> -> memref<128x128xf32, #tpu.memory_space<vmem>>
    %dma_wait3A_126 = arith.constant 0 : i32
    %dma_wait3A_127 = tpu.memref_slice %arg5[%dma_wait3A_120, %dma_wait3A_126] : memref<200x128xi32, #tpu.memory_space<vmem>> -> memref<1x128xi32, #tpu.memory_space<vmem>>
    %dma_wait3A_128 = tpu.memref_squeeze %dma_wait3A_127 : memref<1x128xi32, #tpu.memory_space<vmem>> -> memref<128xi32, #tpu.memory_space<vmem>>
    %dma_wait3A_129 = arith.constant 0 : i32
    %dma_wait3A_130 = arith.constant 0 : i32
    %dma_wait3A_131 = tpu.memref_slice %arg3[%dma_wait3A_129, %dma_wait3A_130] : memref<100000x128xf32, #tpu.memory_space<hbm>> -> memref<100000x128xf32, #tpu.memory_space<hbm>>
    tpu.wait_indirect_dma semaphore(%arg9 : memref<!tpu.dma_semaphore, #tpu.memory_space<semaphore_mem>>) src(%dma_wait3A_131 : memref<100000x128xf32, #tpu.memory_space<hbm>>) dst(%dma_wait3A_125 : memref<128x128xf32, #tpu.memory_space<vmem>>)
    %add3A_132 = arith.constant 25216 : i32
    %add3A_133 = arith.addi %mul3A_2, %add3A_132 : i32
    %dma_start3A_134 = arith.constant 2 : i32
    %dma_start3A_135 = arith.constant 0 : i32
    %dma_start3A_136 = arith.constant 0 : i32
    %dma_start3A_137 = tpu.memref_slice %arg6[%dma_start3A_134, %dma_start3A_135, %dma_start3A_136] : memref<5x128x128xf32, #tpu.memory_space<vmem>> -> memref<1x128x128xf32, #tpu.memory_space<vmem>>
    %dma_start3A_138 = tpu.memref_squeeze %dma_start3A_137 : memref<1x128x128xf32, #tpu.memory_space<vmem>> -> memref<128x128xf32, #tpu.memory_space<vmem>>
    %dma_start3A_139 = arith.constant 0 : i32
    %dma_start3A_140 = tpu.memref_slice %arg4[%add3A_133, %dma_start3A_139] : memref<819200x128xf32, #tpu.memory_space<hbm>> -> memref<128x128xf32, #tpu.memory_space<hbm>>
    %dma_start3A_141 = arith.constant 0 : i32
    %dma_start3A_142 = tpu.memref_slice %arg4[%add3A_133, %dma_start3A_141] : memref<819200x128xf32, #tpu.memory_space<hbm>> -> memref<128x128xf32, #tpu.memory_space<hbm>>
    %dma_start3A_143 = arith.constant 0 : i32
    %dma_start3A_144 = arith.constant 0 : i32
    %dma_start3A_145 = tpu.memref_slice %arg6[%dma_start3A_134, %dma_start3A_143, %dma_start3A_144] : memref<5x128x128xf32, #tpu.memory_space<vmem>> -> memref<1x128x128xf32, #tpu.memory_space<vmem>>
    %dma_start3A_146 = tpu.memref_squeeze %dma_start3A_145 : memref<1x128x128xf32, #tpu.memory_space<vmem>> -> memref<128x128xf32, #tpu.memory_space<vmem>>
    tpu.enqueue_dma source(%dma_start3A_146 : memref<128x128xf32, #tpu.memory_space<vmem>>) target(%dma_start3A_142 : memref<128x128xf32, #tpu.memory_space<hbm>>) target_semaphore(%arg14 : memref<!tpu.dma_semaphore, #tpu.memory_space<semaphore_mem>>)
    %dma_wait3A_147 = arith.constant 0 : i32
    %dma_wait3A_148 = arith.constant 3 : i32
    %dma_wait3A_149 = arith.constant 0 : i32
    %dma_wait3A_150 = arith.constant 0 : i32
    %dma_wait3A_151 = tpu.memref_slice %arg6[%dma_wait3A_148, %dma_wait3A_149, %dma_wait3A_150] : memref<5x128x128xf32, #tpu.memory_space<vmem>> -> memref<1x128x128xf32, #tpu.memory_space<vmem>>
    %dma_wait3A_152 = tpu.memref_squeeze %dma_wait3A_151 : memref<1x128x128xf32, #tpu.memory_space<vmem>> -> memref<128x128xf32, #tpu.memory_space<vmem>>
    %dma_wait3A_153 = arith.constant 0 : i32
    %dma_wait3A_154 = tpu.memref_slice %arg5[%dma_wait3A_147, %dma_wait3A_153] : memref<200x128xi32, #tpu.memory_space<vmem>> -> memref<1x128xi32, #tpu.memory_space<vmem>>
    %dma_wait3A_155 = tpu.memref_squeeze %dma_wait3A_154 : memref<1x128xi32, #tpu.memory_space<vmem>> -> memref<128xi32, #tpu.memory_space<vmem>>
    %dma_wait3A_156 = arith.constant 0 : i32
    %dma_wait3A_157 = arith.constant 0 : i32
    %dma_wait3A_158 = tpu.memref_slice %arg3[%dma_wait3A_156, %dma_wait3A_157] : memref<100000x128xf32, #tpu.memory_space<hbm>> -> memref<100000x128xf32, #tpu.memory_space<hbm>>
    tpu.wait_indirect_dma semaphore(%arg10 : memref<!tpu.dma_semaphore, #tpu.memory_space<semaphore_mem>>) src(%dma_wait3A_158 : memref<100000x128xf32, #tpu.memory_space<hbm>>) dst(%dma_wait3A_152 : memref<128x128xf32, #tpu.memory_space<vmem>>)
    %add3A_159 = arith.constant 25344 : i32
    %add3A_160 = arith.addi %mul3A_2, %add3A_159 : i32
    %dma_start3A_161 = arith.constant 3 : i32
    %dma_start3A_162 = arith.constant 0 : i32
    %dma_start3A_163 = arith.constant 0 : i32
    %dma_start3A_164 = tpu.memref_slice %arg6[%dma_start3A_161, %dma_start3A_162, %dma_start3A_163] : memref<5x128x128xf32, #tpu.memory_space<vmem>> -> memref<1x128x128xf32, #tpu.memory_space<vmem>>
    %dma_start3A_165 = tpu.memref_squeeze %dma_start3A_164 : memref<1x128x128xf32, #tpu.memory_space<vmem>> -> memref<128x128xf32, #tpu.memory_space<vmem>>
    %dma_start3A_166 = arith.constant 0 : i32
    %dma_start3A_167 = tpu.memref_slice %arg4[%add3A_160, %dma_start3A_166] : memref<819200x128xf32, #tpu.memory_space<hbm>> -> memref<128x128xf32, #tpu.memory_space<hbm>>
    %dma_start3A_168 = arith.constant 0 : i32
    %dma_start3A_169 = tpu.memref_slice %arg4[%add3A_160, %dma_start3A_168] : memref<819200x128xf32, #tpu.memory_space<hbm>> -> memref<128x128xf32, #tpu.memory_space<hbm>>
    %dma_start3A_170 = arith.constant 0 : i32
    %dma_start3A_171 = arith.constant 0 : i32
    %dma_start3A_172 = tpu.memref_slice %arg6[%dma_start3A_161, %dma_start3A_170, %dma_start3A_171] : memref<5x128x128xf32, #tpu.memory_space<vmem>> -> memref<1x128x128xf32, #tpu.memory_space<vmem>>
    %dma_start3A_173 = tpu.memref_squeeze %dma_start3A_172 : memref<1x128x128xf32, #tpu.memory_space<vmem>> -> memref<128x128xf32, #tpu.memory_space<vmem>>
    tpu.enqueue_dma source(%dma_start3A_173 : memref<128x128xf32, #tpu.memory_space<vmem>>) target(%dma_start3A_169 : memref<128x128xf32, #tpu.memory_space<hbm>>) target_semaphore(%arg15 : memref<!tpu.dma_semaphore, #tpu.memory_space<semaphore_mem>>)
    %dma_wait3A_174 = arith.constant 0 : i32
    %dma_wait3A_175 = arith.constant 4 : i32
    %dma_wait3A_176 = arith.constant 0 : i32
    %dma_wait3A_177 = arith.constant 0 : i32
    %dma_wait3A_178 = tpu.memref_slice %arg6[%dma_wait3A_175, %dma_wait3A_176, %dma_wait3A_177] : memref<5x128x128xf32, #tpu.memory_space<vmem>> -> memref<1x128x128xf32, #tpu.memory_space<vmem>>
    %dma_wait3A_179 = tpu.memref_squeeze %dma_wait3A_178 : memref<1x128x128xf32, #tpu.memory_space<vmem>> -> memref<128x128xf32, #tpu.memory_space<vmem>>
    %dma_wait3A_180 = arith.constant 0 : i32
    %dma_wait3A_181 = tpu.memref_slice %arg5[%dma_wait3A_174, %dma_wait3A_180] : memref<200x128xi32, #tpu.memory_space<vmem>> -> memref<1x128xi32, #tpu.memory_space<vmem>>
    %dma_wait3A_182 = tpu.memref_squeeze %dma_wait3A_181 : memref<1x128xi32, #tpu.memory_space<vmem>> -> memref<128xi32, #tpu.memory_space<vmem>>
    %dma_wait3A_183 = arith.constant 0 : i32
    %dma_wait3A_184 = arith.constant 0 : i32
    %dma_wait3A_185 = tpu.memref_slice %arg3[%dma_wait3A_183, %dma_wait3A_184] : memref<100000x128xf32, #tpu.memory_space<hbm>> -> memref<100000x128xf32, #tpu.memory_space<hbm>>
    tpu.wait_indirect_dma semaphore(%arg11 : memref<!tpu.dma_semaphore, #tpu.memory_space<semaphore_mem>>) src(%dma_wait3A_185 : memref<100000x128xf32, #tpu.memory_space<hbm>>) dst(%dma_wait3A_179 : memref<128x128xf32, #tpu.memory_space<vmem>>)
    %add3A_186 = arith.constant 25472 : i32
    %add3A_187 = arith.addi %mul3A_2, %add3A_186 : i32
    %dma_start3A_188 = arith.constant 4 : i32
    %dma_start3A_189 = arith.constant 0 : i32
    %dma_start3A_190 = arith.constant 0 : i32
    %dma_start3A_191 = tpu.memref_slice %arg6[%dma_start3A_188, %dma_start3A_189, %dma_start3A_190] : memref<5x128x128xf32, #tpu.memory_space<vmem>> -> memref<1x128x128xf32, #tpu.memory_space<vmem>>
    %dma_start3A_192 = tpu.memref_squeeze %dma_start3A_191 : memref<1x128x128xf32, #tpu.memory_space<vmem>> -> memref<128x128xf32, #tpu.memory_space<vmem>>
    %dma_start3A_193 = arith.constant 0 : i32
    %dma_start3A_194 = tpu.memref_slice %arg4[%add3A_187, %dma_start3A_193] : memref<819200x128xf32, #tpu.memory_space<hbm>> -> memref<128x128xf32, #tpu.memory_space<hbm>>
    %dma_start3A_195 = arith.constant 0 : i32
    %dma_start3A_196 = tpu.memref_slice %arg4[%add3A_187, %dma_start3A_195] : memref<819200x128xf32, #tpu.memory_space<hbm>> -> memref<128x128xf32, #tpu.memory_space<hbm>>
    %dma_start3A_197 = arith.constant 0 : i32
    %dma_start3A_198 = arith.constant 0 : i32
    %dma_start3A_199 = tpu.memref_slice %arg6[%dma_start3A_188, %dma_start3A_197, %dma_start3A_198] : memref<5x128x128xf32, #tpu.memory_space<vmem>> -> memref<1x128x128xf32, #tpu.memory_space<vmem>>
    %dma_start3A_200 = tpu.memref_squeeze %dma_start3A_199 : memref<1x128x128xf32, #tpu.memory_space<vmem>> -> memref<128x128xf32, #tpu.memory_space<vmem>>
    tpu.enqueue_dma source(%dma_start3A_200 : memref<128x128xf32, #tpu.memory_space<vmem>>) target(%dma_start3A_196 : memref<128x128xf32, #tpu.memory_space<hbm>>) target_semaphore(%arg16 : memref<!tpu.dma_semaphore, #tpu.memory_space<semaphore_mem>>)
    %dma_wait3A_201 = arith.constant 0 : i32
    %dma_wait3A_202 = arith.constant 0 : i32
    %dma_wait3A_203 = arith.constant 0 : i32
    %dma_wait3A_204 = tpu.memref_slice %arg6[%dma_wait3A_201, %dma_wait3A_202, %dma_wait3A_203] : memref<5x128x128xf32, #tpu.memory_space<vmem>> -> memref<1x128x128xf32, #tpu.memory_space<vmem>>
    %dma_wait3A_205 = tpu.memref_squeeze %dma_wait3A_204 : memref<1x128x128xf32, #tpu.memory_space<vmem>> -> memref<128x128xf32, #tpu.memory_space<vmem>>
    %dma_wait3A_206 = arith.constant 0 : i32
    %dma_wait3A_207 = tpu.memref_slice %arg4[%mul3A_2, %dma_wait3A_206] : memref<819200x128xf32, #tpu.memory_space<hbm>> -> memref<128x128xf32, #tpu.memory_space<hbm>>
    %dma_wait3A_208 = arith.constant 0 : i32
    %dma_wait3A_209 = tpu.memref_slice %arg4[%mul3A_2, %dma_wait3A_208] : memref<819200x128xf32, #tpu.memory_space<hbm>> -> memref<128x128xf32, #tpu.memory_space<hbm>>
    %dma_wait3A_210 = arith.constant 0 : i32
    %dma_wait3A_211 = arith.constant 0 : i32
    %dma_wait3A_212 = tpu.memref_slice %arg6[%dma_wait3A_201, %dma_wait3A_210, %dma_wait3A_211] : memref<5x128x128xf32, #tpu.memory_space<vmem>> -> memref<1x128x128xf32, #tpu.memory_space<vmem>>
    %dma_wait3A_213 = tpu.memref_squeeze %dma_wait3A_212 : memref<1x128x128xf32, #tpu.memory_space<vmem>> -> memref<128x128xf32, #tpu.memory_space<vmem>>
    tpu.wait_dma2 semaphore(%arg12 : memref<!tpu.dma_semaphore, #tpu.memory_space<semaphore_mem>>) src(%dma_wait3A_213 : memref<128x128xf32, #tpu.memory_space<vmem>>) dst(%dma_wait3A_209 : memref<128x128xf32, #tpu.memory_space<hbm>>)
    %dma_wait3A_214 = arith.constant 1 : i32
    %dma_wait3A_215 = arith.constant 0 : i32
    %dma_wait3A_216 = arith.constant 0 : i32
    %dma_wait3A_217 = tpu.memref_slice %arg6[%dma_wait3A_214, %dma_wait3A_215, %dma_wait3A_216] : memref<5x128x128xf32, #tpu.memory_space<vmem>> -> memref<1x128x128xf32, #tpu.memory_space<vmem>>
    %dma_wait3A_218 = tpu.memref_squeeze %dma_wait3A_217 : memref<1x128x128xf32, #tpu.memory_space<vmem>> -> memref<128x128xf32, #tpu.memory_space<vmem>>
    %dma_wait3A_219 = arith.constant 0 : i32
    %dma_wait3A_220 = tpu.memref_slice %arg4[%mul3A_2, %dma_wait3A_219] : memref<819200x128xf32, #tpu.memory_space<hbm>> -> memref<128x128xf32, #tpu.memory_space<hbm>>
    %dma_wait3A_221 = arith.constant 0 : i32
    %dma_wait3A_222 = tpu.memref_slice %arg4[%mul3A_2, %dma_wait3A_221] : memref<819200x128xf32, #tpu.memory_space<hbm>> -> memref<128x128xf32, #tpu.memory_space<hbm>>
    %dma_wait3A_223 = arith.constant 0 : i32
    %dma_wait3A_224 = arith.constant 0 : i32
    %dma_wait3A_225 = tpu.memref_slice %arg6[%dma_wait3A_214, %dma_wait3A_223, %dma_wait3A_224] : memref<5x128x128xf32, #tpu.memory_space<vmem>> -> memref<1x128x128xf32, #tpu.memory_space<vmem>>
    %dma_wait3A_226 = tpu.memref_squeeze %dma_wait3A_225 : memref<1x128x128xf32, #tpu.memory_space<vmem>> -> memref<128x128xf32, #tpu.memory_space<vmem>>
    tpu.wait_dma2 semaphore(%arg13 : memref<!tpu.dma_semaphore, #tpu.memory_space<semaphore_mem>>) src(%dma_wait3A_226 : memref<128x128xf32, #tpu.memory_space<vmem>>) dst(%dma_wait3A_222 : memref<128x128xf32, #tpu.memory_space<hbm>>)
    %dma_wait3A_227 = arith.constant 2 : i32
    %dma_wait3A_228 = arith.constant 0 : i32
    %dma_wait3A_229 = arith.constant 0 : i32
    %dma_wait3A_230 = tpu.memref_slice %arg6[%dma_wait3A_227, %dma_wait3A_228, %dma_wait3A_229] : memref<5x128x128xf32, #tpu.memory_space<vmem>> -> memref<1x128x128xf32, #tpu.memory_space<vmem>>
    %dma_wait3A_231 = tpu.memref_squeeze %dma_wait3A_230 : memref<1x128x128xf32, #tpu.memory_space<vmem>> -> memref<128x128xf32, #tpu.memory_space<vmem>>
    %dma_wait3A_232 = arith.constant 0 : i32
    %dma_wait3A_233 = tpu.memref_slice %arg4[%mul3A_2, %dma_wait3A_232] : memref<819200x128xf32, #tpu.memory_space<hbm>> -> memref<128x128xf32, #tpu.memory_space<hbm>>
    %dma_wait3A_234 = arith.constant 0 : i32
    %dma_wait3A_235 = tpu.memref_slice %arg4[%mul3A_2, %dma_wait3A_234] : memref<819200x128xf32, #tpu.memory_space<hbm>> -> memref<128x128xf32, #tpu.memory_space<hbm>>
    %dma_wait3A_236 = arith.constant 0 : i32
    %dma_wait3A_237 = arith.constant 0 : i32
    %dma_wait3A_238 = tpu.memref_slice %arg6[%dma_wait3A_227, %dma_wait3A_236, %dma_wait3A_237] : memref<5x128x128xf32, #tpu.memory_space<vmem>> -> memref<1x128x128xf32, #tpu.memory_space<vmem>>
    %dma_wait3A_239 = tpu.memref_squeeze %dma_wait3A_238 : memref<1x128x128xf32, #tpu.memory_space<vmem>> -> memref<128x128xf32, #tpu.memory_space<vmem>>
    tpu.wait_dma2 semaphore(%arg14 : memref<!tpu.dma_semaphore, #tpu.memory_space<semaphore_mem>>) src(%dma_wait3A_239 : memref<128x128xf32, #tpu.memory_space<vmem>>) dst(%dma_wait3A_235 : memref<128x128xf32, #tpu.memory_space<hbm>>)
    %dma_wait3A_240 = arith.constant 3 : i32
    %dma_wait3A_241 = arith.constant 0 : i32
    %dma_wait3A_242 = arith.constant 0 : i32
    %dma_wait3A_243 = tpu.memref_slice %arg6[%dma_wait3A_240, %dma_wait3A_241, %dma_wait3A_242] : memref<5x128x128xf32, #tpu.memory_space<vmem>> -> memref<1x128x128xf32, #tpu.memory_space<vmem>>
    %dma_wait3A_244 = tpu.memref_squeeze %dma_wait3A_243 : memref<1x128x128xf32, #tpu.memory_space<vmem>> -> memref<128x128xf32, #tpu.memory_space<vmem>>
    %dma_wait3A_245 = arith.constant 0 : i32
    %dma_wait3A_246 = tpu.memref_slice %arg4[%mul3A_2, %dma_wait3A_245] : memref<819200x128xf32, #tpu.memory_space<hbm>> -> memref<128x128xf32, #tpu.memory_space<hbm>>
    %dma_wait3A_247 = arith.constant 0 : i32
    %dma_wait3A_248 = tpu.memref_slice %arg4[%mul3A_2, %dma_wait3A_247] : memref<819200x128xf32, #tpu.memory_space<hbm>> -> memref<128x128xf32, #tpu.memory_space<hbm>>
    %dma_wait3A_249 = arith.constant 0 : i32
    %dma_wait3A_250 = arith.constant 0 : i32
    %dma_wait3A_251 = tpu.memref_slice %arg6[%dma_wait3A_240, %dma_wait3A_249, %dma_wait3A_250] : memref<5x128x128xf32, #tpu.memory_space<vmem>> -> memref<1x128x128xf32, #tpu.memory_space<vmem>>
    %dma_wait3A_252 = tpu.memref_squeeze %dma_wait3A_251 : memref<1x128x128xf32, #tpu.memory_space<vmem>> -> memref<128x128xf32, #tpu.memory_space<vmem>>
    tpu.wait_dma2 semaphore(%arg15 : memref<!tpu.dma_semaphore, #tpu.memory_space<semaphore_mem>>) src(%dma_wait3A_252 : memref<128x128xf32, #tpu.memory_space<vmem>>) dst(%dma_wait3A_248 : memref<128x128xf32, #tpu.memory_space<hbm>>)
    %dma_wait3A_253 = arith.constant 4 : i32
    %dma_wait3A_254 = arith.constant 0 : i32
    %dma_wait3A_255 = arith.constant 0 : i32
    %dma_wait3A_256 = tpu.memref_slice %arg6[%dma_wait3A_253, %dma_wait3A_254, %dma_wait3A_255] : memref<5x128x128xf32, #tpu.memory_space<vmem>> -> memref<1x128x128xf32, #tpu.memory_space<vmem>>
    %dma_wait3A_257 = tpu.memref_squeeze %dma_wait3A_256 : memref<1x128x128xf32, #tpu.memory_space<vmem>> -> memref<128x128xf32, #tpu.memory_space<vmem>>
    %dma_wait3A_258 = arith.constant 0 : i32
    %dma_wait3A_259 = tpu.memref_slice %arg4[%mul3A_2, %dma_wait3A_258] : memref<819200x128xf32, #tpu.memory_space<hbm>> -> memref<128x128xf32, #tpu.memory_space<hbm>>
    %dma_wait3A_260 = arith.constant 0 : i32
    %dma_wait3A_261 = tpu.memref_slice %arg4[%mul3A_2, %dma_wait3A_260] : memref<819200x128xf32, #tpu.memory_space<hbm>> -> memref<128x128xf32, #tpu.memory_space<hbm>>
    %dma_wait3A_262 = arith.constant 0 : i32
    %dma_wait3A_263 = arith.constant 0 : i32
    %dma_wait3A_264 = tpu.memref_slice %arg6[%dma_wait3A_253, %dma_wait3A_262, %dma_wait3A_263] : memref<5x128x128xf32, #tpu.memory_space<vmem>> -> memref<1x128x128xf32, #tpu.memory_space<vmem>>
    %dma_wait3A_265 = tpu.memref_squeeze %dma_wait3A_264 : memref<1x128x128xf32, #tpu.memory_space<vmem>> -> memref<128x128xf32, #tpu.memory_space<vmem>>
    tpu.wait_dma2 semaphore(%arg16 : memref<!tpu.dma_semaphore, #tpu.memory_space<semaphore_mem>>) src(%dma_wait3A_265 : memref<128x128xf32, #tpu.memory_space<vmem>>) dst(%dma_wait3A_261 : memref<128x128xf32, #tpu.memory_space<hbm>>)
    return
  }
}

</mosaic_0001>

<sc_bundles>
// kernel: _sc_gather.3.cloned.1.call-start
scs
__scs_entry_jumppad:
0x0: {  	(pc) =	sbr.rel $0x88, $3  }
0x1: {  	(tag) =	ssettag $0x0;
	lr =	simm.s32 $0x1  }
0x2: {  	[smem:$0x3F9F] =	sst lr;
	_ =	strace $0xD0000000  }
0x3: {  	_ = 	snop  }
0x4: {  	_ = 	snop  }
0x5: {  	_ = 	snop  }
0x6: {  	_ = 	snop  }
0x7: {  	_ = 	snop  }
__scs_overlays_trampoline_lowered:
0x8: {  	[smem:$0x3FAE] =	sst s0  }
0x9: {  	[smem:$0x3FAF] =	sst s1  }
0xa: {  	[smem:$0x3FB0] =	sst s2  }
0xb: {  	[smem:$0x3FB1] =	sst s3  }
0xc: {  	[smem:$0x3FB2] =	sst s4  }
0xd: {  	[smem:$0x3FB3] =	sst s5  }
0xe: {  	[smem:$0x3FB4] =	sst s6  }
0xf: {  	[smem:$0x3FB5] =	sst s7  }
0x10: {  	[smem:$0x3FB6] =	sst s8  }
0x11: {  	[smem:$0x3FB7] =	sst s9;
	s0 =	simm.s32 @!p0 $0x0  }
0x12: {  	s1 =	sld [smem:$0x3F9D];
	s0 =	simm.s32 @p0 $0x1  }
0x13: {  	[smem:$0x3FB8] =	sst s0;
	s0 =	simm.s32 @!p1 $0x0  }
0x14: {  	s2 =	sld [smem:$0x3F9C];
	s0 =	simm.s32 @p1 $0x1  }
0x15: {  	[smem:$0x3FB9] =	sst s0;
	s0 =	simm.s32 @!p2 $0x0  }
0x16: {  	s3 =	sld [smem:$0x3FDB];
	s0 =	simm.s32 @p2 $0x1  }
0x17: {  	s4 =	simm.s32 $0x1BF5;
	[smem:$0x3FBB] =	sst s0  }
0x18: {  	s0 =	sld [smem:$0x3F9E];
	_ =	swait.ge [sflag:s4], $0x0  }
0x19: {  	s7 =	sld [smem:$0x3F9F]  }
0x1a: {  	s8 =	sadd.s32 $0xFFFFE003, lr  }
0x1b: {  	s9 =	sadd.s32 $0xFFFFFEF7, lr;
	s5 =	simm.s32 $0xFFFFFFFF;
	p2 =	slt.u32 s8, $0xFFFFF086  }
0x1c: {  	p1 =	slt.u32 s9, $0xF7A;
	s5 =	simm.s32 @!p2 $0x0  }
0x1d: {  	s5 =	simm.s32 @p1 $0x1;
	p0 =	seq.s32 s7, s2  }
0x1e: {  	s7 =	smul.u32 @!p0 $0xF7A, s2;
	p2 =	seq.s32 @!p0 s5, $0x0  }
0x1f: {  	s9 =	smul.u32 $0xF7A, s1;
	s8 =	simm.s32 @!p0 $0x1BF5;
	p2 =	por !p2, p0  }
0x20: {  	[sflag:s8] =	ssyncset.s32 @!p0 $0xFFFFF086;
	s6 =	sadd.s32 @!p0 s3, s7;
	s7 =	simm.s32 @!p0 $0x108  }
0x21: {  	s3 =	sadd.s32 s3, s9;
	s6 =	sadd.s32 @!p0 $0x88, s6;
	s7 =	simm.s32 @p2 $0x1082  }
0x22: {  	[simem:s7], [sflag:s8] =	dma.local @!p0 [hbm:s6], $0xF7A  }
0x23: {  	s9 =	sor.u32 $0xD0000000, s2;
	s6 =	simm.s32 $0x108;
	_ =	swait.ge @!p0 [sflag:s8], $0x0  }
0x24: {  	s3 =	sadd.s32 $0x88, s3;
	s6 =	simm.s32 @!p1 $0x1082;
	[sflag:s4] =	ssyncset.s32 $0xFFFFF086  }
0x25: {  	[simem:s6], [sflag:s4] =	dma.local [hbm:s3], $0xF7A  }
0x26: {  	[smem:$0x3F9F] =	sst s1;
	(tag) =	ssettag s2;
	_ =	strace s9  }
0x27: {  	s1 =	sld [smem:$0x3FAF]  }
0x28: {  	s2 =	sld [smem:$0x3FB0]  }
0x29: {  	s4 =	sld [smem:$0x3FB2]  }
0x2a: {  	p0 =	seq.s32 s5, $0x0;
	s5 =	sld [smem:$0x3FB3]  }
0x2b: {  	s6 =	sld [smem:$0x3FB4]  }
0x2c: {  	s7 =	sld [smem:$0x3FB5]  }
0x2d: {  	s3 =	simm.s32 $0x108;
	s8 =	sld [smem:$0x3FB6]  }
0x2e: {  	s3 =	simm.s32 @!p0 $0x1082;
	s9 =	sld [smem:$0x3FB7]  }
0x2f: {  	lr =	sadd.s32 s0, s3;
	s0 =	sld [smem:$0x3FAE]  }
0x30: {  	s3 =	sld [smem:$0x3FB1]  }
0x31: {  	[smem:$0x3FBA] =	sst s10  }
0x32: {  	s10 =	sld [smem:$0x3FB8];
	_ =	sdelay $0x3  }
0x33: {  	p0 =	seq.s32 s10, $0x1;
	s10 =	sld [smem:$0x3FBA];
	_ =	sdelay $0x3  }
0x34: {  	[smem:$0x3FBA] =	sst s10  }
0x35: {  	s10 =	sld [smem:$0x3FB9];
	_ =	sdelay $0x3  }
0x36: {  	p1 =	seq.s32 s10, $0x1;
	s10 =	sld [smem:$0x3FBA];
	_ =	sdelay $0x3  }
0x37: {  	[smem:$0x3FBA] =	sst s10  }
0x38: {  	s10 =	sld [smem:$0x3FBB]  }
0x39: {  	_ = 	snop;
	(pc) =	sbr.ind lr, $3  }
0x3a: {  	_ = 	snop  }
0x3b: {  	_ = 	snop  }
0x3c: {  	p2 =	seq.s32 s10, $0x1;
	s10 =	sld [smem:$0x3FBA]  }
0x3d: {  	_ =	shalt  }
0x3e: {  	_ =	shalt  }
0x3f: {  	_ =	shalt  }
0x40: {  	_ =	shalt  }
0x41: {  	_ =	shalt  }
0x42: {  	_ =	shalt  }
0x43: {  	_ =	shalt  }
0x44: {  	_ =	shalt  }
0x45: {  	_ =	shalt  }
0x46: {  	_ =	shalt  }
0x47: {  	_ =	shalt  }
0x48: {  	_ =	shalt  }
0x49: {  	_ =	shalt  }
0x4a: {  	_ =	shalt  }
0x4b: {  	_ =	shalt  }
0x4c: {  	_ =	shalt  }
0x4d: {  	_ =	shalt  }
0x4e: {  	_ =	shalt  }
0x4f: {  	_ =	shalt  }
0x50: {  	_ =	shalt  }
0x51: {  	_ =	shalt  }
0x52: {  	_ =	shalt  }
0x53: {  	_ =	shalt  }
0x54: {  	_ =	shalt  }
0x55: {  	_ =	shalt  }
0x56: {  	_ =	shalt  }
0x57: {  	_ =	shalt  }
0x58: {  	_ =	shalt  }
0x59: {  	_ =	shalt  }
0x5a: {  	_ =	shalt  }
0x5b: {  	_ =	shalt  }
0x5c: {  	_ =	shalt  }
0x5d: {  	_ =	shalt  }
0x5e: {  	_ =	shalt  }
0x5f: {  	_ =	shalt  }
0x60: {  	_ =	shalt  }
0x61: {  	_ =	shalt  }
0x62: {  	_ =	shalt  }
0x63: {  	_ =	shalt  }
0x64: {  	_ =	shalt  }
0x65: {  	_ =	shalt  }
0x66: {  	_ =	shalt  }
0x67: {  	_ =	shalt  }
0x68: {  	_ =	shalt  }
0x69: {  	_ =	shalt  }
0x6a: {  	_ =	shalt  }
0x6b: {  	_ =	shalt  }
0x6c: {  	_ =	shalt  }
0x6d: {  	_ =	shalt  }
0x6e: {  	_ =	shalt  }
0x6f: {  	_ =	shalt  }
0x70: {  	_ =	shalt  }
0x71: {  	_ =	shalt  }
0x72: {  	_ =	shalt  }
0x73: {  	_ =	shalt  }
0x74: {  	_ =	shalt  }
0x75: {  	_ =	shalt  }
0x76: {  	_ =	shalt  }
0x77: {  	_ =	shalt  }
0x78: {  	_ =	shalt  }
0x79: {  	_ =	shalt  }
0x7a: {  	_ =	shalt  }
0x7b: {  	_ =	shalt  }
0x7c: {  	_ =	shalt  }
0x7d: {  	_ =	shalt  }
0x7e: {  	_ =	shalt  }
0x7f: {  	_ =	shalt  }
0x80: {  	_ =	shalt  }
0x81: {  	_ =	shalt  }
0x82: {  	_ =	shalt  }
0x83: {  	_ =	shalt  }
0x84: {  	_ =	shalt  }
0x85: {  	_ =	shalt  }
0x86: {  	_ =	shalt  }
0x87: {  	_ =	shalt  }
.Lfunc_end0:
.L_simem_size_0:
called_computation_lowered:
.L_overlay_start_0:
0x88: {  	s2 =	sld [smem:$0x3FD9]  }
0x89: {  	s3 =	sld [smem:$0x3FFE];
	_ =	sdelay $0x1  }
0x8a: {  	s1 =	srdreg.scid  }
0x8b: {  	s0 =	sand.u32 $0x1, s1  }
0x8c: {  	s18 =	sshll.u32 s0, $0xA;
	s2 =	sadd.s32 s3, s2  }
0x8d: {  	s2 =	sadd.s32 s2, s18  }
0x8e: {  	[smem:$0x3FC6] =	sst s2  }
0x8f: {  	_ = 	snop  }
0x90: {  	s2 =	sld [smem:$0x3FC9]  }
0x91: {  	s19 =	sld [smem:$0x3FC8]  }
0x92: {  	s4 =	sld [smem:$0x3FD0];
	(tm) =	ssettm $0x1  }
0x93: {  	s5 =	sld [smem:$0x3FFB];
	_ =	sdelay $0x3  }
0x94: {  	_ =	strace s5  }
0x95: {  	s5 =	sld [smem:$0x3FFC];
	_ =	sdelay $0x3  }
0x96: {  	_ =	strace s5  }
0x97: {  	s5 =	sld [smem:$0x3FFD];
	_ =	sdelay $0x3  }
0x98: {  	_ =	strace s5  }
0x99: {  	_ =	strace $0x8FFFFFFF  }
0x9a: {  	s20 =	sld [smem:$0x3FDB];
	_ =	sdelay $0x1  }
0x9b: {  	s6 =	simm.s32 $_scs_section_size  }
0x9c: {  	s7 =	simm.s32 $_size__tile_overlayer_lowered;
	s8 =	simm.s32 $_tile_overlayer_lowered  }
0x9d: {  	s23 =	simm.s32 $0x1BFF;
	s22 =	sshll.u32 s8, $0x1;
	s5 =	sadd.s32 s6, s20  }
0x9e: {  	s9 =	simm.s32 $0x0;
	s21 =	sshll.u32 s7, $0x1;
	s7 =	sadd.s32 s22, s5  }
0x9f: {  	[timem:s9], [sflag:s23] =	dma.local [hbm:s7], s21  }
0xa0: {  	_ =	swait.ge [sflag:s23], s21  }
0xa1: {  	s6 =	ssub.s32 $0x0, s21;
	[sflag:s23] =	ssyncset.done $0x0  }
0xa2: {  	[sflag:s23] =	ssyncadd.s32 s6;
	_ =	sdelay $0x1  }
0xa3: {  	s24 =	simm.s32 $0x1B8B  }
0xa4: {  	_ =	swait.ge [sflag:s24], $0x1  }
0xa5: {  	[sflag:s24] =	ssyncset.done $0x0  }
0xa6: {  	s25 =	simm.s32 $0x1B8E;
	[sflag:s24] =	ssyncadd.s32 $0xFFFFFFFF  }
0xa7: {  	s26 =	simm.s32 $execute0_lowered;
	[smem:$0x3FD2] =	sst s25  }
0xa8: {  	s6 =	sshll.u32 s26, $0x1;
	_ =	strace $0x80000046;
	[dreg:$0x1] =	wrdreg $0xFFFFFFFF  }
0xa9: {  	s28 =	simm.s32 $_size_execute0_lowered;
	s5 =	sadd.s32 s5, s6;
	[dreg:$0x0] =	wrdreg $0x0  }
0xaa: {  	s6 =	sshll.u32 s28, $0x1;
	[dreg:$0x2] =	wrdreg s5  }
0xab: {  	[dreg:$0x3] =	wrdreg s6  }
0xac: {  	[dreg:$0x4] =	wrdreg $0xC0  }
0xad: {  	_ =	task [dreg:s9], $0x5FFFF  }
0xae: {  	[dreg:$0x1] =	wrdreg $0xFFFFFFFF  }
0xaf: {  	[dreg:$0x0] =	wrdreg $0x60  }
0xb0: {  	[dreg:$0x2] =	wrdreg s2  }
0xb1: {  	[dreg:$0x3] =	wrdreg s19  }
0xb2: {  	[dreg:$0x4] =	wrdreg s4  }
0xb3: {  	[dreg:$0x5] =	wrdreg $0x9  }
0xb4: {  	_ =	task.clear_ibuf [dreg:s9], $0x6FFFF;
	_ =	strace $0x90000046  }
0xb5: {  	s29 =	simm.s32 $0x9;
	_ =	strace $0x80000048  }
0xb6: {  	_ =	swait.ge [sflag:s29], $0x1  }
0xb7: {  	[sflag:s29] =	ssyncadd.s32 $0xFFFFFFFF  }
0xb8: {  	_ =	strace $0x90000048  }
0xb9: {  	_ =	sfence  }
0xba: {  	s30 =	sld [smem:$0x0];
	_ =	sdelay $0x2  }
0xbb: {  	s31 =	sshll.u32 s1, $0xD;
	s1 =	sshrl.u32 s1, $0x2  }
0xbc: {  	s3 =	sand.u32 $0x4000, s31;
	s1 =	sadd.s32 s1, s30  }
0xbd: {  	s0 =	sor.u32 s3, s0;
	s1 =	sshll.u32 s1, $0x11  }
0xbe: {  	s0 =	sor.u32 s1, s0  }
0xbf: {  	s0 =	sadd.s32 $0x8F2B, s0  }
0xc0: {  	[sflag:s0] =	ssyncadd.remote.s32 $0x1  }
0xc1: {  	_ =	sfence.sel $0xFFFF  }
0xc2: {  	[dreg:$0x0] =	wrdreg $0xFFFFFFFF;
	(pc) =	sbr.abs _section_cstart, $3  }
0xc3: {  	[dreg:$0x1] =	wrdreg $0xFFFFFFFF  }
0xc4: {  	_ =	task.clear_ibuf [dreg:s9], $0x2FFFF;
	_ =	strace $0x9FFFFFFF  }
0xc5: {  	(tm) =	ssettm $0x7FFFFFFF  }
tec
execute0_lowered:
.L_overlay_start_1:
0x0: {  	(tag) =	ssettag $0x1  }
0x1: {  	s0 =	rddreg [dreg:$0x0]  }
0x2: {  	s2 =	rddreg [dreg:$0x1];
	s1 =	srdreg.scid  }
0x3: {  	s9 =	stileid.u32;
	s7 =	rddreg [dreg:$0x2]  }
0x4: {  	s12 =	simm.s32 $0xB;
	s13 =	simm.s32 $0x80;
	s14 =	simm.s32 $0x6400  }
0x5: {  	s15 =	simm.s32 $0xA400;
	s17 =	simm.s32 $0xE400;
	s19 =	simm.s32 $0x12400  }
0x6: {  	s21 =	simm.s32 $0x16400;
	s22 =	simm.s32 $0x1;
	s28 =	simm.s32 $0x6  }
0x7: {  	s29 =	simm.s32 $0x7;
	s1 =	sand.u32 $0x1, s1;
	s3 =	sshll.u32 s9, $0x1  }
0x8: {  	s30 =	simm.s32 $0x8;
	s25 =	smul.u32 $0xC8000, s9;
	s4 =	sor.u32 s1, s3  }
0x9: {  	s3 =	simm.s32 $0x0;
	s5 =	ssub.s32 $0x2, s1;
	s1 =	smul.u32 $0x64000, s1  }
0xa: {  	s31 =	simm.s32 $0x9;
	s6 =	smul.u32 $0x6400, s4;
	[smem:$0x7FF] =	sst s3  }
0xb: {  	s8 =	sshrl.u32 s5, $0x1;
	s4 =	smul.u32 $0x320000, s4;
	s9 =	sadd.s32 s25, s7  }
0xc: {  	s25 =	simm.s32 $0x4;
	_ =	strace $0x80000047;
	s10 =	ssub.s32 s5, s8  }
0xd: {  	s1 =	sadd.s32 s1, s9;
	s23 =	sshrl.u32 s6, $0x3;
	s24 =	sshrl.u32 s4, $0x3  }
0xe: {  	s10 =	smax.u32 s10, $0x1;
	s11 =	sadd.s32 $0x2000, s1;
	s1 =	simm.s32 $0xA  }
0xf: {  	s0 =	sadd.s32 s0, s23;
	s26 =	sadd.s32 s7, s24;
	s23 =	simm.s32 $0x2  }
0x10: {  	s24 =	simm.s32 $0x3;
	[dreg:$0x4] =	wrdreg s0;
	s5 =	sadd.s32 $0x61800, s26  }
0x11: {  	s6 =	sadd.s32 $0x62000, s26;
	s7 =	sadd.s32 $0x62800, s26;
	s8 =	sadd.s32 $0x63000, s26  }
0x12: {  	s9 =	sadd.s32 $0x63800, s26;
	s26 =	simm.s32 $0x5;
	s0 =	simm.s32 $0x0  }
.LBB2_1:
0x13: {  	s4 =	rddreg [dreg:$0x4]  }
0x14: {  	[tilespmem:s3], [sflag:$0xB] =	stream.linear.gather [hbm4b:s4+s3], $0x6400, $0x38;
	[tilespmem:$0x1A400] =	vst v63  }
0x15: {  	_ =	swait.ge [sflag:s12], $0x6400  }
0x16: {  	[sflag:s12] =	ssyncset.done $0x0  }
0x17: {  	[sflag:s12] =	ssyncadd.s32 $0xFFFF9C00  }
0x18: {  	[tilespmem:s14], [sflag:$0x1] =	stream.indirect.gather [hbm4b:s2+s13], $0x80, s3, s13, $0xb8;
	[tilespmem:$0x1A400] =	vst v63  }
0x19: {  	_ = 	snop  }
0x1a: {  	[tilespmem:s15], [sflag:$0x2] =	stream.indirect.gather [hbm4b:s2+s13], $0x80, s13, s13, $0xb8;
	[tilespmem:$0x1A400] =	vst v63  }
0x1b: {  	s20 =	simm.s32 $0x100  }
0x1c: {  	[tilespmem:s17], [sflag:$0x3] =	stream.indirect.gather [hbm4b:s2+s13], $0x80, s20, s13, $0xb8;
	[tilespmem:$0x1A400] =	vst v63  }
0x1d: {  	s16 =	simm.s32 $0x180  }
0x1e: {  	[tilespmem:s19], [sflag:$0x4] =	stream.indirect.gather [hbm4b:s2+s13], $0x80, s16, s13, $0xb8;
	[tilespmem:$0x1A400] =	vst v63  }
0x1f: {  	s18 =	simm.s32 $0x200  }
0x20: {  	[tilespmem:s21], [sflag:$0x5] =	stream.indirect.gather [hbm4b:s2+s13], $0x80, s18, s13, $0xb8;
	[tilespmem:$0x1A400] =	vst v63  }
0x21: {  	_ =	swait.ge [sflag:s22], $0x4000  }
0x22: {  	[sflag:s22] =	ssyncset.done $0x0  }
0x23: {  	s16 =	sadd.s32 $0xFFFFE000, s11;
	[sflag:s22] =	ssyncadd.s32 $0xFFFFC000  }
0x24: {  	[hbm4b:s16+s3] =	stream.linear.scatter [tilespmem:s14], [sflag:$0x6], $0x4000, $0x38;
	[tilespmem:$0x1A400] =	vst v63  }
0x25: {  	_ =	swait.ge [sflag:s23], $0x4000  }
0x26: {  	[sflag:s23] =	ssyncset.done $0x0  }
0x27: {  	s20 =	sadd.s32 $0xFFFFE800, s11;
	[sflag:s23] =	ssyncadd.s32 $0xFFFFC000  }
0x28: {  	[hbm4b:s20+s3] =	stream.linear.scatter [tilespmem:s15], [sflag:$0x7], $0x4000, $0x38;
	[tilespmem:$0x1A400] =	vst v63  }
0x29: {  	_ =	swait.ge [sflag:s24], $0x4000  }
0x2a: {  	[sflag:s24] =	ssyncset.done $0x0  }
0x2b: {  	s4 =	sadd.s32 $0xFFFFF000, s11;
	[sflag:s24] =	ssyncadd.s32 $0xFFFFC000  }
0x2c: {  	[hbm4b:s4+s3] =	stream.linear.scatter [tilespmem:s17], [sflag:$0x8], $0x4000, $0x38;
	[tilespmem:$0x1A400] =	vst v63  }
0x2d: {  	_ =	swait.ge [sflag:s25], $0x4000  }
0x2e: {  	[sflag:s25] =	ssyncset.done $0x0  }
0x2f: {  	s18 =	sadd.s32 $0xFFFFF800, s11;
	[sflag:s25] =	ssyncadd.s32 $0xFFFFC000  }
0x30: {  	[hbm4b:s18+s3] =	stream.linear.scatter [tilespmem:s19], [sflag:$0x9], $0x4000, $0x38;
	[tilespmem:$0x1A400] =	vst v63  }
0x31: {  	_ =	swait.ge [sflag:s26], $0x4000  }
0x32: {  	[sflag:s26] =	ssyncset.done $0x0  }
0x33: {  	[sflag:s26] =	ssyncadd.s32 $0xFFFFC000  }
0x34: {  	[hbm4b:s11+s3] =	stream.linear.scatter [tilespmem:s21], [sflag:$0xA], $0x4000, $0x38;
	[tilespmem:$0x1A400] =	vst v63  }
0x35: {  	_ =	swait.ge [sflag:s28], $0x4000  }
0x36: {  	[sflag:s28] =	ssyncset.done $0x0  }
0x37: {  	s20 =	simm.s32 $0x280;
	[sflag:s28] =	ssyncadd.s32 $0xFFFFC000  }
0x38: {  	[tilespmem:s14], [sflag:$0x1] =	stream.indirect.gather [hbm4b:s2+s13], $0x80, s20, s13, $0xb8;
	[tilespmem:$0x1A400] =	vst v63  }
0x39: {  	_ =	swait.ge [sflag:s29], $0x4000  }
0x3a: {  	[sflag:s29] =	ssyncset.done $0x0  }
0x3b: {  	s4 =	simm.s32 $0x300;
	[sflag:s29] =	ssyncadd.s32 $0xFFFFC000  }
0x3c: {  	[tilespmem:s15], [sflag:$0x2] =	stream.indirect.gather [hbm4b:s2+s13], $0x80, s4, s13, $0xb8;
	[tilespmem:$0x1A400] =	vst v63  }
0x3d: {  	_ =	swait.ge [sflag:s30], $0x4000  }
0x3e: {  	[sflag:s30] =	ssyncset.done $0x0  }
0x3f: {  	s18 =	simm.s32 $0x380;
	[sflag:s30] =	ssyncadd.s32 $0xFFFFC000  }
0x40: {  	[tilespmem:s17], [sflag:$0x3] =	stream.indirect.gather [hbm4b:s2+s13], $0x80, s18, s13, $0xb8;
	[tilespmem:$0x1A400] =	vst v63  }
0x41: {  	_ =	swait.ge [sflag:s31], $0x4000  }
0x42: {  	[sflag:s31] =	ssyncset.done $0x0  }
0x43: {  	s20 =	simm.s32 $0x400;
	[sflag:s31] =	ssyncadd.s32 $0xFFFFC000  }
0x44: {  	[tilespmem:s19], [sflag:$0x4] =	stream.indirect.gather [hbm4b:s2+s13], $0x80, s20, s13, $0xb8;
	[tilespmem:$0x1A400] =	vst v63  }
0x45: {  	_ =	swait.ge [sflag:s1], $0x4000  }
0x46: {  	s16 =	simm.s32 $0xA00;
	[sflag:s1] =	ssyncset.done $0x0  }
0x47: {  	s18 =	sadd.s32 $0x2800, s11;
	s20 =	simm.s32 $0x480;
	[sflag:s1] =	ssyncadd.s32 $0xFFFFC000  }
.LBB2_2:
0x48: {  	[tilespmem:s21], [sflag:$0x5] =	stream.indirect.gather [hbm4b:s2+s13], $0x80, s20, s13, $0xb8;
	[tilespmem:$0x1A400] =	vst v63  }
0x49: {  	s20 =	smov.u32 s16  }
0x4a: {  	p0 =	sne.s32 s16, $0x17C00;
	s16 =	sadd.s32 $0xA00, s16;
	_ =	swait.ge [sflag:s22], $0x4000  }
0x4b: {  	[sflag:s22] =	ssyncset.done $0x0  }
0x4c: {  	s4 =	sadd.s32 $0xFFFFE000, s18;
	[sflag:s22] =	ssyncadd.s32 $0xFFFFC000  }
0x4d: {  	[hbm4b:s4+s3] =	stream.linear.scatter [tilespmem:s14], [sflag:$0x6], $0x4000, $0x38;
	[tilespmem:$0x1A400] =	vst v63  }
0x4e: {  	_ =	swait.ge [sflag:s23], $0x4000  }
0x4f: {  	[sflag:s23] =	ssyncset.done $0x0  }
0x50: {  	s4 =	sadd.s32 $0xFFFFE800, s18;
	[sflag:s23] =	ssyncadd.s32 $0xFFFFC000  }
0x51: {  	[hbm4b:s4+s3] =	stream.linear.scatter [tilespmem:s15], [sflag:$0x7], $0x4000, $0x38;
	[tilespmem:$0x1A400] =	vst v63  }
0x52: {  	_ =	swait.ge [sflag:s24], $0x4000  }
0x53: {  	[sflag:s24] =	ssyncset.done $0x0  }
0x54: {  	s4 =	sadd.s32 $0xFFFFF000, s18;
	[sflag:s24] =	ssyncadd.s32 $0xFFFFC000  }
0x55: {  	[hbm4b:s4+s3] =	stream.linear.scatter [tilespmem:s17], [sflag:$0x8], $0x4000, $0x38;
	[tilespmem:$0x1A400] =	vst v63  }
0x56: {  	_ =	swait.ge [sflag:s25], $0x4000  }
0x57: {  	[sflag:s25] =	ssyncset.done $0x0  }
0x58: {  	s4 =	sadd.s32 $0xFFFFF800, s18;
	[sflag:s25] =	ssyncadd.s32 $0xFFFFC000  }
0x59: {  	[hbm4b:s4+s3] =	stream.linear.scatter [tilespmem:s19], [sflag:$0x9], $0x4000, $0x38;
	[tilespmem:$0x1A400] =	vst v63  }
0x5a: {  	_ =	swait.ge [sflag:s26], $0x4000  }
0x5b: {  	[sflag:s26] =	ssyncset.done $0x0  }
0x5c: {  	[sflag:s26] =	ssyncadd.s32 $0xFFFFC000  }
0x5d: {  	[hbm4b:s18+s3] =	stream.linear.scatter [tilespmem:s21], [sflag:$0xA], $0x4000, $0x38;
	[tilespmem:$0x1A400] =	vst v63  }
0x5e: {  	_ =	swait.ge [sflag:s28], $0x4000  }
0x5f: {  	s4 =	sshra.s32 s20, $0x2;
	[sflag:s28] =	ssyncset.done $0x0  }
0x60: {  	s20 =	sadd.s32 $0x280, s4;
	[sflag:s28] =	ssyncadd.s32 $0xFFFFC000  }
0x61: {  	[tilespmem:s14], [sflag:$0x1] =	stream.indirect.gather [hbm4b:s2+s13], $0x80, s20, s13, $0xb8;
	[tilespmem:$0x1A400] =	vst v63  }
0x62: {  	_ =	swait.ge [sflag:s29], $0x4000  }
0x63: {  	[sflag:s29] =	ssyncset.done $0x0  }
0x64: {  	s20 =	sadd.s32 $0x300, s4;
	[sflag:s29] =	ssyncadd.s32 $0xFFFFC000  }
0x65: {  	[tilespmem:s15], [sflag:$0x2] =	stream.indirect.gather [hbm4b:s2+s13], $0x80, s20, s13, $0xb8;
	[tilespmem:$0x1A400] =	vst v63  }
0x66: {  	_ =	swait.ge [sflag:s30], $0x4000  }
0x67: {  	[sflag:s30] =	ssyncset.done $0x0  }
0x68: {  	s20 =	sadd.s32 $0x380, s4;
	[sflag:s30] =	ssyncadd.s32 $0xFFFFC000  }
0x69: {  	[tilespmem:s17], [sflag:$0x3] =	stream.indirect.gather [hbm4b:s2+s13], $0x80, s20, s13, $0xb8;
	[tilespmem:$0x1A400] =	vst v63  }
0x6a: {  	_ =	swait.ge [sflag:s31], $0x4000  }
0x6b: {  	[sflag:s31] =	ssyncset.done $0x0  }
.Ltmp0:
0x6c: {  	s20 =	sadd.s32 $0x400, s4;
	[sflag:s31] =	ssyncadd.s32 $0xFFFFC000;
	(pc) =	sbr.rel @p0 .LBB2_2-.Ltmp0, $4  }
0x6d: {  	[tilespmem:s19], [sflag:$0x4] =	stream.indirect.gather [hbm4b:s2+s13], $0x80, s20, s13, $0xb8;
	[tilespmem:$0x1A400] =	vst v63  }
0x6e: {  	_ =	swait.ge [sflag:s1], $0x4000  }
0x6f: {  	[sflag:s1] =	ssyncset.done $0x0  }
0x70: {  	s18 =	sadd.s32 $0x2800, s18;
	s20 =	sadd.s32 $0x480, s4;
	[sflag:s1] =	ssyncadd.s32 $0xFFFFC000  }
0x71: {  	[tilespmem:s21], [sflag:$0x5] =	stream.indirect.gather [hbm4b:s2+s13], $0x80, s20, s13, $0xb8;
	[tilespmem:$0x1A400] =	vst v63  }
0x72: {  	_ =	swait.ge [sflag:s22], $0x4000  }
0x73: {  	[sflag:s22] =	ssyncset.done $0x0  }
0x74: {  	[sflag:s22] =	ssyncadd.s32 $0xFFFFC000  }
0x75: {  	[hbm4b:s5+s3] =	stream.linear.scatter [tilespmem:s14], [sflag:$0x6], $0x4000, $0x38;
	[tilespmem:$0x1A400] =	vst v63  }
0x76: {  	_ =	swait.ge [sflag:s23], $0x4000  }
0x77: {  	[sflag:s23] =	ssyncset.done $0x0  }
0x78: {  	[sflag:s23] =	ssyncadd.s32 $0xFFFFC000  }
0x79: {  	[hbm4b:s6+s3] =	stream.linear.scatter [tilespmem:s15], [sflag:$0x7], $0x4000, $0x38;
	[tilespmem:$0x1A400] =	vst v63  }
0x7a: {  	_ =	swait.ge [sflag:s24], $0x4000  }
0x7b: {  	[sflag:s24] =	ssyncset.done $0x0  }
0x7c: {  	[sflag:s24] =	ssyncadd.s32 $0xFFFFC000  }
0x7d: {  	[hbm4b:s7+s3] =	stream.linear.scatter [tilespmem:s17], [sflag:$0x8], $0x4000, $0x38;
	[tilespmem:$0x1A400] =	vst v63  }
0x7e: {  	_ =	swait.ge [sflag:s25], $0x4000  }
0x7f: {  	[sflag:s25] =	ssyncset.done $0x0  }
0x80: {  	[sflag:s25] =	ssyncadd.s32 $0xFFFFC000  }
0x81: {  	[hbm4b:s8+s3] =	stream.linear.scatter [tilespmem:s19], [sflag:$0x9], $0x4000, $0x38;
	[tilespmem:$0x1A400] =	vst v63  }
0x82: {  	_ =	swait.ge [sflag:s26], $0x4000  }
0x83: {  	[sflag:s26] =	ssyncset.done $0x0  }
0x84: {  	[sflag:s26] =	ssyncadd.s32 $0xFFFFC000  }
0x85: {  	[hbm4b:s9+s3] =	stream.linear.scatter [tilespmem:s21], [sflag:$0xA], $0x4000, $0x38;
	[tilespmem:$0x1A400] =	vst v63  }
0x86: {  	_ =	swait.ge [sflag:s28], $0x4000  }
0x87: {  	[sflag:s28] =	ssyncset.done $0x0  }
0x88: {  	[sflag:s28] =	ssyncadd.s32 $0xFFFFC000  }
0x89: {  	_ =	swait.ge [sflag:s29], $0x4000  }
0x8a: {  	[sflag:s29] =	ssyncset.done $0x0  }
0x8b: {  	[sflag:s29] =	ssyncadd.s32 $0xFFFFC000  }
0x8c: {  	_ =	swait.ge [sflag:s30], $0x4000  }
0x8d: {  	[sflag:s30] =	ssyncset.done $0x0  }
0x8e: {  	s0 =	sadd.s32 $0x1, s0;
	[sflag:s30] =	ssyncadd.s32 $0xFFFFC000  }
0x8f: {  	p0 =	sne.s32 s0, s10;
	_ =	swait.ge [sflag:s31], $0x4000  }
.Ltmp1:
0x90: {  	[sflag:s31] =	ssyncset.done $0x0;
	(pc) =	sbr.rel @p0 .LBB2_1-.Ltmp1, $4  }
0x91: {  	[sflag:s31] =	ssyncadd.s32 $0xFFFFC000  }
0x92: {  	_ =	swait.ge [sflag:s1], $0x4000  }
0x93: {  	[sflag:s1] =	ssyncset.done $0x0  }
0x94: {  	[sflag:s1] =	ssyncadd.s32 $0xFFFFC000  }
0x95: {  	_ =	sfence.sel $0x180000  }
0x96: {  	[bflag:$0x0] =	sbarrier.arrive $0xFFFF  }
0x97: {  	_ =	strace $0x90000047  }
0x98: {  	s0 =	stileid.u32;
	[bflag:$0x2] =	sbarrier.arrive $0xFFFF  }
0x99: {  	p0 =	sne.s32 s0, $0x0;
	s0 =	rddreg [dreg:$0x3]  }
0x9a: {  	s0 =	sadd.s32 @!p0 $0x100000, s0  }
0x9b: {  	[sflag:s0] =	ssyncadd.tile.s32 @!p0 $0x1;
	_ =	shalt  }
.Lfunc_end2:
_tile_overlayer_lowered:
.L_overlay_start_2:
0x9c: {  	(tag) =	ssettag $0x2  }
0x9d: {  	s0 =	rddreg [dreg:$0x0];
	s2 =	stileid.u32  }
0x9e: {  	s1 =	rddreg [dreg:$0x1];
	p0 =	sne.s32 s2, $0x0  }
0x9f: {  	s3 =	rddreg [dreg:$0x2];
	[bflag:$0x3] =	sbarrier.arrive $0xFFFF;
	s2 =	simm.s32 @!p0 $0x1C0B  }
0xa0: {  	[timem:s3], [sflag:s2] =	dma.local @!p0 [hbm:s0], s1  }
0xa1: {  	s0 =	simm.s32 @!p0 $0xB  }
0xa2: {  	_ =	swait.ge @!p0 [sflag:s0], s1  }
0xa3: {  	s1 =	ssub.s32 @!p0 $0x0, s1;
	[sflag:s0] =	ssyncset.done @!p0 $0x0  }
0xa4: {  	[sflag:s0] =	ssyncadd.s32 @!p0 s1  }
0xa5: {  	[bflag:$0x3] =	sbarrier.arrive $0xFFFF  }
0xa6: {  	_ =	shalt  }

</sc_bundles>
